<compile_context>
chip_gen: v7x
topology: tpu7x:2x2x1
jax: 0.10.2.dev20260603
libtpu: 0.0.44.dev20260713+nightly
codegen_flags: <defaults>
</compile_context>

<pallas_src>
import functools

import jax
import jax.numpy as jnp
from jax import lax
from jax.experimental import pallas as pl
from jax.experimental.pallas import tpu as pltpu
from jax.experimental.pallas import tpu_sc as plsc

N = 10000
E = 320000
D = 128
NCLS = 16

NC = 2
NS = 16
NW = NC * NS
NPAD = 10112
RPT = NPAD // NS
ET = E // NW
CH = 128
NCHUNK = 80
ETP = NCHUNK * CH
NHIST = 2 * NPAD
HPT = NHIST // NS
HW = 16

_mesh = plsc.VectorSubcoreMesh(core_axis_name="c", subcore_axis_name="s")
_sc_params = pltpu.CompilerParams(use_tc_tiling_on_sc=False)


@functools.partial(
    pl.kernel,
    mesh=_mesh,
    out_type=jax.ShapeDtypeStruct((NC, NHIST, HW), jnp.float32),
    scratch_types=[
        pltpu.VMEM((2 * NCHUNK, CH), jnp.int32),
        pltpu.VMEM((CH, HW), jnp.float32),
        pltpu.VMEM((HPT, HW), jnp.float32),
        pltpu.VMEM_SHARED((NHIST, HW), jnp.float32),
    ],
    compiler_params=_sc_params,
)
def _sc_degrees(idx_hbm, out_hbm, idx_v, ones_v, zb_v, deg_sp):
    cid = lax.axis_index("c")
    sid = lax.axis_index("s")
    t = cid * NS + sid

    def _ones(i, _):
        ones_v[i, :] = jnp.full((HW,), 1.0, jnp.float32)
        return 0

    lax.fori_loop(0, CH, _ones, 0)

    def _zb(i, _):
        zb_v[i, :] = jnp.zeros((HW,), jnp.float32)
        return 0

    lax.fori_loop(0, HPT, _zb, 0)
    pltpu.sync_copy(zb_v, deg_sp.at[pl.ds(sid * HPT, HPT)])
    plsc.subcore_barrier()

    pltpu.sync_copy(idx_hbm.at[t], idx_v)

    def _step(j, _):
        pltpu.sync_copy(ones_v, deg_sp.at[idx_v.at[j]], add=True)
        return 0

    lax.fori_loop(0, 2 * NCHUNK, _step, 0)
    plsc.subcore_barrier()
    pltpu.sync_copy(deg_sp.at[pl.ds(sid * HPT, HPT)],
                    out_hbm.at[cid, pl.ds(sid * HPT, HPT)])


@functools.partial(
    pl.kernel,
    mesh=_mesh,
    out_type=jax.ShapeDtypeStruct((NC, NPAD, D), jnp.float32),
    scratch_types=[
        pltpu.VMEM((NCHUNK, CH), jnp.int32),
        pltpu.VMEM((NCHUNK, CH), jnp.int32),
        pltpu.VMEM((CH, D), jnp.float32),
        pltpu.VMEM_SHARED((NPAD, D), jnp.float32),
        pltpu.SemaphoreType.DMA,
    ],
    compiler_params=_sc_params,
)
def _sc_scatter(h_hbm, src_hbm, dst_hbm, out_hbm, src_v, dst_v, rows_v, agg_sp, sem):
    cid = lax.axis_index("c")
    sid = lax.axis_index("s")
    t = cid * NS + sid

    def _zrow(i, _):
        def _zcol(j, _):
            rows_v[i, pl.ds(j * 16, 16)] = jnp.zeros((16,), jnp.float32)
            return 0

        lax.fori_loop(0, D // 16, _zcol, 0)
        return 0

    lax.fori_loop(0, CH, _zrow, 0)
    base = sid * RPT
    for k in range(RPT // CH):
        pltpu.sync_copy(rows_v, agg_sp.at[pl.ds(base + k * CH, CH)])
    rem = RPT % CH
    pltpu.sync_copy(rows_v.at[pl.ds(0, rem)],
                    agg_sp.at[pl.ds(base + (RPT // CH) * CH, rem)])
    plsc.subcore_barrier()

    pltpu.sync_copy(src_hbm.at[t], src_v)
    pltpu.sync_copy(dst_hbm.at[t], dst_v)

    def _step(j, _):
        pltpu.async_copy(h_hbm.at[src_v.at[j]], rows_v, sem).wait()
        pltpu.sync_copy(rows_v, agg_sp.at[dst_v.at[j]], add=True)
        return 0

    lax.fori_loop(0, NCHUNK, _step, 0)
    plsc.subcore_barrier()
    for k in range(RPT // CH):
        pltpu.sync_copy(agg_sp.at[pl.ds(base + k * CH, CH)],
                        out_hbm.at[cid, pl.ds(base + k * CH, CH)])
    pltpu.sync_copy(agg_sp.at[pl.ds(base + (RPT // CH) * CH, rem)],
                    out_hbm.at[cid, pl.ds(base + (RPT // CH) * CH, rem)])


def _tc_layer1(x_ref, w_ref, deg_ref, o_ref):
    d = deg_ref[...]
    ns = lax.rsqrt(jnp.maximum((d[0, 0] + d[1, 0])[:, 0:1], 1.0))
    h = jnp.dot(x_ref[...], w_ref[...], preferred_element_type=jnp.float32)
    o_ref[...] = h * ns


def _tc_layer2(a_ref, deg_ref, b_ref, w_ref, o_ref):
    d = deg_ref[...]
    ns = lax.rsqrt(jnp.maximum((d[0, 0] + d[1, 0])[:, 0:1], 1.0))
    nd = lax.rsqrt(jnp.maximum((d[0, 1] + d[1, 1])[:, 0:1], 1.0))
    t = jnp.maximum((a_ref[0] + a_ref[1]) * nd + b_ref[...], 0.0)
    o_ref[...] = jnp.dot(t, w_ref[...], preferred_element_type=jnp.float32) * ns


def _tc_head(a_ref, deg_ref, b_ref, wp_ref, bp_ref, o_ref):
    d = deg_ref[...]
    nd = lax.rsqrt(jnp.maximum((d[0, 1] + d[1, 1])[:, 0:1], 1.0))
    t = jnp.maximum((a_ref[0] + a_ref[1]) * nd + b_ref[...], 0.0)
    s = jnp.sum(t[:N, :], axis=0, keepdims=True) * (1.0 / N)
    o_ref[...] = jnp.dot(s, wp_ref[...], preferred_element_type=jnp.float32) + bp_ref[...]


_tc1 = pl.pallas_call(
    _tc_layer1, out_shape=jax.ShapeDtypeStruct((NPAD, D), jnp.float32))
_tc2 = pl.pallas_call(
    _tc_layer2, out_shape=jax.ShapeDtypeStruct((NPAD, D), jnp.float32))
_tc3 = pl.pallas_call(
    _tc_head, out_shape=jax.ShapeDtypeStruct((1, NCLS), jnp.float32))


def kernel(features, edge_index, W1, b1, W2, b2, Wp, bp):
    src = edge_index[0].astype(jnp.int32).reshape(NW, ET)
    dst = edge_index[1].astype(jnp.int32).reshape(NW, ET)
    pad = jnp.full((NW, ETP - ET), N, jnp.int32)
    src_p = jnp.concatenate([src, pad], axis=1).reshape(NW, NCHUNK, CH)
    dst_p = jnp.concatenate([dst, pad], axis=1).reshape(NW, NCHUNK, CH)
    hist_idx = jnp.concatenate([src_p, dst_p + NPAD], axis=1)

    x_pad = jnp.pad(features, ((0, NPAD - N), (0, 0)))

    degh = _sc_degrees(hist_idx)
    deg4 = degh.reshape(NC, 2, NPAD, HW)

    h1 = _tc1(x_pad, W1, deg4)
    agg1 = _sc_scatter(h1, src_p, dst_p)
    h2 = _tc2(agg1, deg4, b1.reshape(1, D), W2)
    agg2 = _sc_scatter(h2, src_p, dst_p)
    return _tc3(agg2, deg4, b2.reshape(1, D), Wp, bp.reshape(1, NCLS))

# --- scband reference (transcript-rebuilt; emitter-appended) ---
"""Pipeline reference for scband-predictor-14688788152817 (READ-ONLY COPY).

The authoritative reference and input builder live on the scoring server;
editing this copy changes nothing except your own understanding.
"""

import jax, jax.numpy as jnp
import numpy as np

N_NODES = 10000
N_EDGES = 320000
D_IN = 128
D_HID = 128
N_CLASSES = 16


def setup_inputs(seed: int = 0) -> dict:
    key = jax.random.key(seed)
    ks = jax.random.split(key, 8)
    features = jax.random.normal(ks[0], (N_NODES, D_IN), dtype=jnp.float32)
    edge_index = jax.random.randint(ks[1], (2, N_EDGES), 0, N_NODES, dtype=jnp.int64)
    W1 = jax.random.normal(ks[2], (D_IN, D_HID), dtype=jnp.float32) * (1.0 / np.sqrt(D_IN))
    b1 = jnp.zeros((D_HID,), dtype=jnp.float32)
    W2 = jax.random.normal(ks[3], (D_HID, D_HID), dtype=jnp.float32) * (1.0 / np.sqrt(D_HID))
    b2 = jnp.zeros((D_HID,), dtype=jnp.float32)
    Wp = jax.random.normal(ks[4], (D_HID, N_CLASSES), dtype=jnp.float32) * (1.0 / np.sqrt(D_HID))
    bp = jnp.zeros((N_CLASSES,), dtype=jnp.float32)
    return {"features": features, "edge_index": edge_index, "W1": W1, "b1": b1, "W2": W2, "b2": b2, "Wp": Wp, "bp": bp}


def reference(features, edge_index, W1, b1, W2, b2, Wp, bp):
    src = edge_index[0]
    dst = edge_index[1]
    n = features.shape[0]
    ones = jnp.ones((src.shape[0],), dtype=jnp.float32)
    deg_out = jax.ops.segment_sum(ones, src, num_segments=n)
    deg_in = jax.ops.segment_sum(ones, dst, num_segments=n)
    norm_src = jax.lax.rsqrt(jnp.clip(deg_out, 1.0, None))
    norm_dst = jax.lax.rsqrt(jnp.clip(deg_in, 1.0, None))

    def graph_conv(x, W, b):
        # DGL GraphConv, norm='both': D_dst^{-1/2} A D_src^{-1/2} X W + b, then ReLU
        h = x @ W
        h = h * norm_src[:, None]
        msg = jnp.take(h, src, axis=0)
        agg = jax.ops.segment_sum(msg, dst, num_segments=n)
        agg = agg * norm_dst[:, None]
        return jax.nn.relu(agg + b)

    hidden = graph_conv(features, W1, b1)
    hidden = graph_conv(hidden, W2, b2)
    # dgl.mean_nodes over a single graph -> mean over all nodes
    hg = jnp.mean(hidden, axis=0, keepdims=True)
    return hg @ Wp + bp

if __name__ == "__main__":
    import jax
    _d = setup_inputs()
    print(jax.jit(kernel)(*tuple(_d.values())))

</pallas_src>

<mosaic_0001>
#map = affine_map<(d0, d1) -> (0, 0, 0)>
module attributes {stable_mosaic.version = 14 : i64} {
  func.func @_sc_degrees(%arg0: i32, %arg1: i32, %arg2: memref<32x160x128xi32, #tpu.memory_space<hbm>>, %arg3: memref<2x20224x16xf32, #tpu.memory_space<hbm>>, %arg4: memref<160x128xi32, #tpu.memory_space<vmem>>, %arg5: memref<128x16xf32, #tpu.memory_space<vmem>>, %arg6: memref<1264x16xf32, #tpu.memory_space<vmem>>, %arg7: memref<20224x16xf32, #tpu.memory_space<vmem_shared>>) attributes {dimension_semantics = [#tpu.dimension_semantics<core_parallel>, #tpu.dimension_semantics<subcore_parallel>], iteration_bounds = array<i64: 2, 16>, scalar_prefetch = 0 : i64, scratch_operands = 4 : i64, tpu.core_type = #tpu.core_type<sc_vector_subcore>, window_params = [{transform_indices = #map}, {transform_indices = #map}]} {
    %mul3A = arith.constant 16 : i32
    %mul3A_0 = arith.muli %arg0, %mul3A : i32
    %add3A = arith.addi %mul3A_0, %arg1 : i32
    %scan3A = arith.constant 0 : i32
    %scan3A_1 = arith.constant 0 : i32
    %scan3A_2 = arith.constant 128 : i32
    %scan3A_3 = arith.addi %scan3A_1, %scan3A_2 : i32
    %scan3A_4 = arith.constant 1 : i32
    %scan3A_5 = scf.for %scan3A_28 = %scan3A_1 to %scan3A_3 step %scan3A_4 iter_args(%scan3A_29 = %scan3A) -> (i32)  : i32 {
      %broadcast_in_dim3A = arith.constant 1.000000e+00 : f32
      %broadcast_in_dim3A_30 = vector.broadcast %broadcast_in_dim3A : f32 to vector<16xf32>
      %swap3A = arith.index_cast %scan3A_28 : i32 to index
      %swap3A_31 = arith.constant 0 : index
      %swap3A_32 = tpu.vector_load %arg5[%swap3A, %swap3A_31] {strides = array<i32>} : memref<128x16xf32, #tpu.memory_space<vmem>>, vector<1x16xf32>,
      %swap3A_33 = vector.shape_cast %swap3A_32 : vector<1x16xf32> to vector<16xf32>
      %swap3A_34 = vector.shape_cast %broadcast_in_dim3A_30 : vector<16xf32> to vector<1x16xf32>
      tpu.vector_store %arg5[%swap3A, %swap3A_31], %swap3A_34 {strides = array<i32>} : memref<128x16xf32, #tpu.memory_space<vmem>>, vector<1x16xf32>,
      %scan3A_35 = arith.constant 0 : i32
      scf.yield %scan3A_35 : i32
    }
    %scan3A_6 = arith.constant 128 : i32
    %scan3A_7 = arith.constant 0 : i32
    %scan3A_8 = arith.constant 0 : i32
    %scan3A_9 = arith.constant 1264 : i32
    %scan3A_10 = arith.addi %scan3A_8, %scan3A_9 : i32
    %scan3A_11 = arith.constant 1 : i32
    %scan3A_12 = scf.for %scan3A_28 = %scan3A_8 to %scan3A_10 step %scan3A_11 iter_args(%scan3A_29 = %scan3A_7) -> (i32)  : i32 {
      %broadcast_in_dim3A = arith.constant 0.000000e+00 : f32
      %broadcast_in_dim3A_30 = vector.broadcast %broadcast_in_dim3A : f32 to vector<16xf32>
      %swap3A = arith.index_cast %scan3A_28 : i32 to index
      %swap3A_31 = arith.constant 0 : index
      %swap3A_32 = tpu.vector_load %arg6[%swap3A, %swap3A_31] {strides = array<i32>} : memref<1264x16xf32, #tpu.memory_space<vmem>>, vector<1x16xf32>,
      %swap3A_33 = vector.shape_cast %swap3A_32 : vector<1x16xf32> to vector<16xf32>
      %swap3A_34 = vector.shape_cast %broadcast_in_dim3A_30 : vector<16xf32> to vector<1x16xf32>
      tpu.vector_store %arg6[%swap3A, %swap3A_31], %swap3A_34 {strides = array<i32>} : memref<1264x16xf32, #tpu.memory_space<vmem>>, vector<1x16xf32>,
      %scan3A_35 = arith.constant 0 : i32
      scf.yield %scan3A_35 : i32
    }
    %scan3A_13 = arith.constant 1264 : i32
    %mul3A_14 = arith.constant 1264 : i32
    %mul3A_15 = arith.muli %arg1, %mul3A_14 : i32
    "tpu.region"() ({
      %run_scoped3A = tpu.sem_alloc : memref<!tpu.dma_semaphore, #tpu.memory_space<semaphore_mem>>
      %dma_start3A = arith.constant 0 : i32
      %dma_start3A_28 = tpu.memref_slice %arg7[%mul3A_15, %dma_start3A] : memref<20224x16xf32, #tpu.memory_space<vmem_shared>> -> memref<1264x16xf32, #tpu.memory_space<vmem_shared>>
      %dma_start3A_29 = arith.constant 0 : i32
      %dma_start3A_30 = tpu.memref_slice %arg7[%mul3A_15, %dma_start3A_29] : memref<20224x16xf32, #tpu.memory_space<vmem_shared>> -> memref<1264x16xf32, #tpu.memory_space<vmem_shared>>
      tpu.enqueue_dma source(%arg6 : memref<1264x16xf32, #tpu.memory_space<vmem>>) target(%dma_start3A_30 : memref<1264x16xf32, #tpu.memory_space<vmem_shared>>) target_semaphore(%run_scoped3A : memref<!tpu.dma_semaphore, #tpu.memory_space<semaphore_mem>>)
      %dma_wait3A = arith.constant 0 : i32
      %dma_wait3A_31 = tpu.memref_slice %arg7[%mul3A_15, %dma_wait3A] : memref<20224x16xf32, #tpu.memory_space<vmem_shared>> -> memref<1264x16xf32, #tpu.memory_space<vmem_shared>>
      %dma_wait3A_32 = arith.constant 0 : i32
      %dma_wait3A_33 = tpu.memref_slice %arg7[%mul3A_15, %dma_wait3A_32] : memref<20224x16xf32, #tpu.memory_space<vmem_shared>> -> memref<1264x16xf32, #tpu.memory_space<vmem_shared>>
      tpu.wait_dma2 semaphore(%run_scoped3A : memref<!tpu.dma_semaphore, #tpu.memory_space<semaphore_mem>>) src(%arg6 : memref<1264x16xf32, #tpu.memory_space<vmem>>) dst(%dma_wait3A_33 : memref<1264x16xf32, #tpu.memory_space<vmem_shared>>)
      tpu.yield
    }) : () -> ()
    %barrier3A = arith.constant 0 : index
    tpu.barrier barrier_id(%barrier3A)
    "tpu.region"() ({
      %run_scoped3A = tpu.sem_alloc : memref<!tpu.dma_semaphore, #tpu.memory_space<semaphore_mem>>
      %dma_start3A = arith.constant 0 : i32
      %dma_start3A_28 = arith.constant 0 : i32
      %dma_start3A_29 = tpu.memref_slice %arg2[%add3A, %dma_start3A, %dma_start3A_28] : memref<32x160x128xi32, #tpu.memory_space<hbm>> -> memref<1x160x128xi32, #tpu.memory_space<hbm>>
      %dma_start3A_30 = tpu.memref_squeeze %dma_start3A_29 : memref<1x160x128xi32, #tpu.memory_space<hbm>> -> memref<160x128xi32, #tpu.memory_space<hbm>>
      %dma_start3A_31 = arith.constant 0 : i32
      %dma_start3A_32 = arith.constant 0 : i32
      %dma_start3A_33 = tpu.memref_slice %arg2[%add3A, %dma_start3A_31, %dma_start3A_32] : memref<32x160x128xi32, #tpu.memory_space<hbm>> -> memref<1x160x128xi32, #tpu.memory_space<hbm>>
      %dma_start3A_34 = tpu.memref_squeeze %dma_start3A_33 : memref<1x160x128xi32, #tpu.memory_space<hbm>> -> memref<160x128xi32, #tpu.memory_space<hbm>>
      tpu.enqueue_dma source(%dma_start3A_34 : memref<160x128xi32, #tpu.memory_space<hbm>>) target(%arg4 : memref<160x128xi32, #tpu.memory_space<vmem>>) target_semaphore(%run_scoped3A : memref<!tpu.dma_semaphore, #tpu.memory_space<semaphore_mem>>)
      %dma_wait3A = arith.constant 0 : i32
      %dma_wait3A_35 = arith.constant 0 : i32
      %dma_wait3A_36 = tpu.memref_slice %arg2[%add3A, %dma_wait3A, %dma_wait3A_35] : memref<32x160x128xi32, #tpu.memory_space<hbm>> -> memref<1x160x128xi32, #tpu.memory_space<hbm>>
      %dma_wait3A_37 = tpu.memref_squeeze %dma_wait3A_36 : memref<1x160x128xi32, #tpu.memory_space<hbm>> -> memref<160x128xi32, #tpu.memory_space<hbm>>
      %dma_wait3A_38 = arith.constant 0 : i32
      %dma_wait3A_39 = arith.constant 0 : i32
      %dma_wait3A_40 = tpu.memref_slice %arg2[%add3A, %dma_wait3A_38, %dma_wait3A_39] : memref<32x160x128xi32, #tpu.memory_space<hbm>> -> memref<1x160x128xi32, #tpu.memory_space<hbm>>
      %dma_wait3A_41 = tpu.memref_squeeze %dma_wait3A_40 : memref<1x160x128xi32, #tpu.memory_space<hbm>> -> memref<160x128xi32, #tpu.memory_space<hbm>>
      tpu.wait_dma2 semaphore(%run_scoped3A : memref<!tpu.dma_semaphore, #tpu.memory_space<semaphore_mem>>) src(%dma_wait3A_41 : memref<160x128xi32, #tpu.memory_space<hbm>>) dst(%arg4 : memref<160x128xi32, #tpu.memory_space<vmem>>)
      tpu.yield
    }) : () -> ()
    %scan3A_16 = arith.constant 0 : i32
    %scan3A_17 = arith.constant 0 : i32
    %scan3A_18 = arith.constant 160 : i32
    %scan3A_19 = arith.addi %scan3A_17, %scan3A_18 : i32
    %scan3A_20 = arith.constant 1 : i32
    %scan3A_21 = scf.for %scan3A_28 = %scan3A_17 to %scan3A_19 step %scan3A_20 iter_args(%scan3A_29 = %scan3A_16) -> (i32)  : i32 {
      "tpu.region"() ({
        %run_scoped3A = tpu.sem_alloc : memref<!tpu.dma_semaphore, #tpu.memory_space<semaphore_mem>>
        %dma_start3A = arith.constant 0 : i32
        %dma_start3A_31 = tpu.memref_slice %arg4[%scan3A_28, %dma_start3A] : memref<160x128xi32, #tpu.memory_space<vmem>> -> memref<1x128xi32, #tpu.memory_space<vmem>>
        %dma_start3A_32 = tpu.memref_squeeze %dma_start3A_31 : memref<1x128xi32, #tpu.memory_space<vmem>> -> memref<128xi32, #tpu.memory_space<vmem>>
        %dma_start3A_33 = arith.constant 0 : i32
        %dma_start3A_34 = arith.constant 0 : i32
        %dma_start3A_35 = tpu.memref_slice %arg7[%dma_start3A_33, %dma_start3A_34] : memref<20224x16xf32, #tpu.memory_space<vmem_shared>> -> memref<20224x16xf32, #tpu.memory_space<vmem_shared>>
        tpu.enqueue_indirect_dma source(%arg5 : memref<128x16xf32, #tpu.memory_space<vmem>>) target(%dma_start3A_35 : memref<20224x16xf32, #tpu.memory_space<vmem_shared>>) offsets(%dma_start3A_32 : memref<128xi32, #tpu.memory_space<vmem>>) semaphore(%run_scoped3A : memref<!tpu.dma_semaphore, #tpu.memory_space<semaphore_mem>>) {add = true}
        %dma_wait3A = arith.constant 0 : i32
        %dma_wait3A_36 = tpu.memref_slice %arg4[%scan3A_28, %dma_wait3A] : memref<160x128xi32, #tpu.memory_space<vmem>> -> memref<1x128xi32, #tpu.memory_space<vmem>>
        %dma_wait3A_37 = tpu.memref_squeeze %dma_wait3A_36 : memref<1x128xi32, #tpu.memory_space<vmem>> -> memref<128xi32, #tpu.memory_space<vmem>>
        %dma_wait3A_38 = arith.constant 0 : i32
        %dma_wait3A_39 = arith.constant 0 : i32
        %dma_wait3A_40 = tpu.memref_slice %arg7[%dma_wait3A_38, %dma_wait3A_39] : memref<20224x16xf32, #tpu.memory_space<vmem_shared>> -> memref<20224x16xf32, #tpu.memory_space<vmem_shared>>
        tpu.wait_indirect_dma semaphore(%run_scoped3A : memref<!tpu.dma_semaphore, #tpu.memory_space<semaphore_mem>>) src(%arg5 : memref<128x16xf32, #tpu.memory_space<vmem>>) dst(%dma_wait3A_40 : memref<20224x16xf32, #tpu.memory_space<vmem_shared>>)
        tpu.yield
      }) : () -> ()
      %scan3A_30 = arith.constant 0 : i32
      scf.yield %scan3A_30 : i32
    }
    %scan3A_22 = arith.constant 160 : i32
    %barrier3A_23 = arith.constant 0 : index
    tpu.barrier barrier_id(%barrier3A_23)
    %mul3A_24 = arith.constant 1264 : i32
    %mul3A_25 = arith.muli %arg1, %mul3A_24 : i32
    %mul3A_26 = arith.constant 1264 : i32
    %mul3A_27 = arith.muli %arg1, %mul3A_26 : i32
    "tpu.region"() ({
      %run_scoped3A = tpu.sem_alloc : memref<!tpu.dma_semaphore, #tpu.memory_space<semaphore_mem>>
      %dma_start3A = arith.constant 0 : i32
      %dma_start3A_28 = tpu.memref_slice %arg3[%arg0, %mul3A_27, %dma_start3A] : memref<2x20224x16xf32, #tpu.memory_space<hbm>> -> memref<1x1264x16xf32, #tpu.memory_space<hbm>>
      %dma_start3A_29 = tpu.memref_squeeze %dma_start3A_28 : memref<1x1264x16xf32, #tpu.memory_space<hbm>> -> memref<1264x16xf32, #tpu.memory_space<hbm>>
      %dma_start3A_30 = arith.constant 0 : i32
      %dma_start3A_31 = tpu.memref_slice %arg7[%mul3A_25, %dma_start3A_30] : memref<20224x16xf32, #tpu.memory_space<vmem_shared>> -> memref<1264x16xf32, #tpu.memory_space<vmem_shared>>
      tpu.enqueue_dma source(%dma_start3A_31 : memref<1264x16xf32, #tpu.memory_space<vmem_shared>>) target(%dma_start3A_29 : memref<1264x16xf32, #tpu.memory_space<hbm>>) target_semaphore(%run_scoped3A : memref<!tpu.dma_semaphore, #tpu.memory_space<semaphore_mem>>)
      %dma_wait3A = arith.constant 0 : i32
      %dma_wait3A_32 = tpu.memref_slice %arg3[%arg0, %mul3A_27, %dma_wait3A] : memref<2x20224x16xf32, #tpu.memory_space<hbm>> -> memref<1x1264x16xf32, #tpu.memory_space<hbm>>
      %dma_wait3A_33 = tpu.memref_squeeze %dma_wait3A_32 : memref<1x1264x16xf32, #tpu.memory_space<hbm>> -> memref<1264x16xf32, #tpu.memory_space<hbm>>
      %dma_wait3A_34 = arith.constant 0 : i32
      %dma_wait3A_35 = tpu.memref_slice %arg7[%mul3A_25, %dma_wait3A_34] : memref<20224x16xf32, #tpu.memory_space<vmem_shared>> -> memref<1264x16xf32, #tpu.memory_space<vmem_shared>>
      tpu.wait_dma2 semaphore(%run_scoped3A : memref<!tpu.dma_semaphore, #tpu.memory_space<semaphore_mem>>) src(%dma_wait3A_35 : memref<1264x16xf32, #tpu.memory_space<vmem_shared>>) dst(%dma_wait3A_33 : memref<1264x16xf32, #tpu.memory_space<hbm>>)
      tpu.yield
    }) : () -> ()
    return
  }
}

#map = affine_map<(d0, d1) -> (0, 0)>
#map1 = affine_map<(d0, d1) -> (0, 0, 0)>
module attributes {stable_mosaic.version = 14 : i64} {
  func.func @_sc_scatter(%arg0: i32, %arg1: i32, %arg2: memref<10112x128xf32, #tpu.memory_space<hbm>>, %arg3: memref<32x80x128xi32, #tpu.memory_space<hbm>>, %arg4: memref<32x80x128xi32, #tpu.memory_space<hbm>>, %arg5: memref<2x10112x128xf32, #tpu.memory_space<hbm>>, %arg6: memref<80x128xi32, #tpu.memory_space<vmem>>, %arg7: memref<80x128xi32, #tpu.memory_space<vmem>>, %arg8: memref<128x128xf32, #tpu.memory_space<vmem>>, %arg9: memref<10112x128xf32, #tpu.memory_space<vmem_shared>>, %arg10: memref<!tpu.dma_semaphore, #tpu.memory_space<semaphore_mem>>) attributes {dimension_semantics = [#tpu.dimension_semantics<core_parallel>, #tpu.dimension_semantics<subcore_parallel>], iteration_bounds = array<i64: 2, 16>, scalar_prefetch = 0 : i64, scratch_operands = 5 : i64, tpu.core_type = #tpu.core_type<sc_vector_subcore>, window_params = [{transform_indices = #map}, {transform_indices = #map1}, {transform_indices = #map1}, {transform_indices = #map1}]} {
    %mul3A = arith.constant 16 : i32
    %mul3A_0 = arith.muli %arg0, %mul3A : i32
    %add3A = arith.addi %mul3A_0, %arg1 : i32
    %scan3A = arith.constant 0 : i32
    %scan3A_1 = arith.constant 0 : i32
    %scan3A_2 = arith.constant 128 : i32
    %scan3A_3 = arith.addi %scan3A_1, %scan3A_2 : i32
    %scan3A_4 = arith.constant 1 : i32
    %scan3A_5 = scf.for %scan3A_47 = %scan3A_1 to %scan3A_3 step %scan3A_4 iter_args(%scan3A_48 = %scan3A) -> (i32)  : i32 {
      %scan3A_49 = arith.constant 0 : i32
      %scan3A_50 = arith.constant 0 : i32
      %scan3A_51 = arith.constant 8 : i32
      %scan3A_52 = arith.addi %scan3A_50, %scan3A_51 : i32
      %scan3A_53 = arith.constant 1 : i32
      %scan3A_54 = scf.for %scan3A_57 = %scan3A_50 to %scan3A_52 step %scan3A_53 iter_args(%scan3A_58 = %scan3A_49) -> (i32)  : i32 {
        %broadcast_in_dim3A = arith.constant 0.000000e+00 : f32
        %broadcast_in_dim3A_59 = vector.broadcast %broadcast_in_dim3A : f32 to vector<16xf32>
        %mul3A_60 = arith.constant 16 : i32
        %mul3A_61 = arith.muli %scan3A_57, %mul3A_60 : i32
        %swap3A = arith.index_cast %scan3A_47 : i32 to index
        %swap3A_62 = arith.index_cast %mul3A_61 : i32 to index
        %swap3A_63 = tpu.vector_load %arg8[%swap3A, %swap3A_62] {strides = array<i32>} : memref<128x128xf32, #tpu.memory_space<vmem>>, vector<1x16xf32>,
        %swap3A_64 = vector.shape_cast %swap3A_63 : vector<1x16xf32> to vector<16xf32>
        %swap3A_65 = vector.shape_cast %broadcast_in_dim3A_59 : vector<16xf32> to vector<1x16xf32>
        tpu.vector_store %arg8[%swap3A, %swap3A_62], %swap3A_65 {strides = array<i32>} : memref<128x128xf32, #tpu.memory_space<vmem>>, vector<1x16xf32>,
        %scan3A_66 = arith.constant 0 : i32
        scf.yield %scan3A_66 : i32
      }
      %scan3A_55 = arith.constant 8 : i32
      %scan3A_56 = arith.constant 0 : i32
      scf.yield %scan3A_56 : i32
    }
    %scan3A_6 = arith.constant 128 : i32
    %mul3A_7 = arith.constant 632 : i32
    %mul3A_8 = arith.muli %arg1, %mul3A_7 : i32
    %add3A_9 = arith.constant 0 : i32
    %add3A_10 = arith.addi %mul3A_8, %add3A_9 : i32
    "tpu.region"() ({
      %run_scoped3A = tpu.sem_alloc : memref<!tpu.dma_semaphore, #tpu.memory_space<semaphore_mem>>
      %dma_start3A = arith.constant 0 : i32
      %dma_start3A_47 = tpu.memref_slice %arg9[%add3A_10, %dma_start3A] : memref<10112x128xf32, #tpu.memory_space<vmem_shared>> -> memref<128x128xf32, #tpu.memory_space<vmem_shared>>
      %dma_start3A_48 = arith.constant 0 : i32
      %dma_start3A_49 = tpu.memref_slice %arg9[%add3A_10, %dma_start3A_48] : memref<10112x128xf32, #tpu.memory_space<vmem_shared>> -> memref<128x128xf32, #tpu.memory_space<vmem_shared>>
      tpu.enqueue_dma source(%arg8 : memref<128x128xf32, #tpu.memory_space<vmem>>) target(%dma_start3A_49 : memref<128x128xf32, #tpu.memory_space<vmem_shared>>) target_semaphore(%run_scoped3A : memref<!tpu.dma_semaphore, #tpu.memory_space<semaphore_mem>>)
      %dma_wait3A = arith.constant 0 : i32
      %dma_wait3A_50 = tpu.memref_slice %arg9[%add3A_10, %dma_wait3A] : memref<10112x128xf32, #tpu.memory_space<vmem_shared>> -> memref<128x128xf32, #tpu.memory_space<vmem_shared>>
      %dma_wait3A_51 = arith.constant 0 : i32
      %dma_wait3A_52 = tpu.memref_slice %arg9[%add3A_10, %dma_wait3A_51] : memref<10112x128xf32, #tpu.memory_space<vmem_shared>> -> memref<128x128xf32, #tpu.memory_space<vmem_shared>>
      tpu.wait_dma2 semaphore(%run_scoped3A : memref<!tpu.dma_semaphore, #tpu.memory_space<semaphore_mem>>) src(%arg8 : memref<128x128xf32, #tpu.memory_space<vmem>>) dst(%dma_wait3A_52 : memref<128x128xf32, #tpu.memory_space<vmem_shared>>)
      tpu.yield
    }) : () -> ()
    %add3A_11 = arith.constant 128 : i32
    %add3A_12 = arith.addi %mul3A_8, %add3A_11 : i32
    "tpu.region"() ({
      %run_scoped3A = tpu.sem_alloc : memref<!tpu.dma_semaphore, #tpu.memory_space<semaphore_mem>>
      %dma_start3A = arith.constant 0 : i32
      %dma_start3A_47 = tpu.memref_slice %arg9[%add3A_12, %dma_start3A] : memref<10112x128xf32, #tpu.memory_space<vmem_shared>> -> memref<128x128xf32, #tpu.memory_space<vmem_shared>>
      %dma_start3A_48 = arith.constant 0 : i32
      %dma_start3A_49 = tpu.memref_slice %arg9[%add3A_12, %dma_start3A_48] : memref<10112x128xf32, #tpu.memory_space<vmem_shared>> -> memref<128x128xf32, #tpu.memory_space<vmem_shared>>
      tpu.enqueue_dma source(%arg8 : memref<128x128xf32, #tpu.memory_space<vmem>>) target(%dma_start3A_49 : memref<128x128xf32, #tpu.memory_space<vmem_shared>>) target_semaphore(%run_scoped3A : memref<!tpu.dma_semaphore, #tpu.memory_space<semaphore_mem>>)
      %dma_wait3A = arith.constant 0 : i32
      %dma_wait3A_50 = tpu.memref_slice %arg9[%add3A_12, %dma_wait3A] : memref<10112x128xf32, #tpu.memory_space<vmem_shared>> -> memref<128x128xf32, #tpu.memory_space<vmem_shared>>
      %dma_wait3A_51 = arith.constant 0 : i32
      %dma_wait3A_52 = tpu.memref_slice %arg9[%add3A_12, %dma_wait3A_51] : memref<10112x128xf32, #tpu.memory_space<vmem_shared>> -> memref<128x128xf32, #tpu.memory_space<vmem_shared>>
      tpu.wait_dma2 semaphore(%run_scoped3A : memref<!tpu.dma_semaphore, #tpu.memory_space<semaphore_mem>>) src(%arg8 : memref<128x128xf32, #tpu.memory_space<vmem>>) dst(%dma_wait3A_52 : memref<128x128xf32, #tpu.memory_space<vmem_shared>>)
      tpu.yield
    }) : () -> ()
    %add3A_13 = arith.constant 256 : i32
    %add3A_14 = arith.addi %mul3A_8, %add3A_13 : i32
    "tpu.region"() ({
      %run_scoped3A = tpu.sem_alloc : memref<!tpu.dma_semaphore, #tpu.memory_space<semaphore_mem>>
      %dma_start3A = arith.constant 0 : i32
      %dma_start3A_47 = tpu.memref_slice %arg9[%add3A_14, %dma_start3A] : memref<10112x128xf32, #tpu.memory_space<vmem_shared>> -> memref<128x128xf32, #tpu.memory_space<vmem_shared>>
      %dma_start3A_48 = arith.constant 0 : i32
      %dma_start3A_49 = tpu.memref_slice %arg9[%add3A_14, %dma_start3A_48] : memref<10112x128xf32, #tpu.memory_space<vmem_shared>> -> memref<128x128xf32, #tpu.memory_space<vmem_shared>>
      tpu.enqueue_dma source(%arg8 : memref<128x128xf32, #tpu.memory_space<vmem>>) target(%dma_start3A_49 : memref<128x128xf32, #tpu.memory_space<vmem_shared>>) target_semaphore(%run_scoped3A : memref<!tpu.dma_semaphore, #tpu.memory_space<semaphore_mem>>)
      %dma_wait3A = arith.constant 0 : i32
      %dma_wait3A_50 = tpu.memref_slice %arg9[%add3A_14, %dma_wait3A] : memref<10112x128xf32, #tpu.memory_space<vmem_shared>> -> memref<128x128xf32, #tpu.memory_space<vmem_shared>>
      %dma_wait3A_51 = arith.constant 0 : i32
      %dma_wait3A_52 = tpu.memref_slice %arg9[%add3A_14, %dma_wait3A_51] : memref<10112x128xf32, #tpu.memory_space<vmem_shared>> -> memref<128x128xf32, #tpu.memory_space<vmem_shared>>
      tpu.wait_dma2 semaphore(%run_scoped3A : memref<!tpu.dma_semaphore, #tpu.memory_space<semaphore_mem>>) src(%arg8 : memref<128x128xf32, #tpu.memory_space<vmem>>) dst(%dma_wait3A_52 : memref<128x128xf32, #tpu.memory_space<vmem_shared>>)
      tpu.yield
    }) : () -> ()
    %add3A_15 = arith.constant 384 : i32
    %add3A_16 = arith.addi %mul3A_8, %add3A_15 : i32
    "tpu.region"() ({
      %run_scoped3A = tpu.sem_alloc : memref<!tpu.dma_semaphore, #tpu.memory_space<semaphore_mem>>
      %dma_start3A = arith.constant 0 : i32
      %dma_start3A_47 = tpu.memref_slice %arg9[%add3A_16, %dma_start3A] : memref<10112x128xf32, #tpu.memory_space<vmem_shared>> -> memref<128x128xf32, #tpu.memory_space<vmem_shared>>
      %dma_start3A_48 = arith.constant 0 : i32
      %dma_start3A_49 = tpu.memref_slice %arg9[%add3A_16, %dma_start3A_48] : memref<10112x128xf32, #tpu.memory_space<vmem_shared>> -> memref<128x128xf32, #tpu.memory_space<vmem_shared>>
      tpu.enqueue_dma source(%arg8 : memref<128x128xf32, #tpu.memory_space<vmem>>) target(%dma_start3A_49 : memref<128x128xf32, #tpu.memory_space<vmem_shared>>) target_semaphore(%run_scoped3A : memref<!tpu.dma_semaphore, #tpu.memory_space<semaphore_mem>>)
      %dma_wait3A = arith.constant 0 : i32
      %dma_wait3A_50 = tpu.memref_slice %arg9[%add3A_16, %dma_wait3A] : memref<10112x128xf32, #tpu.memory_space<vmem_shared>> -> memref<128x128xf32, #tpu.memory_space<vmem_shared>>
      %dma_wait3A_51 = arith.constant 0 : i32
      %dma_wait3A_52 = tpu.memref_slice %arg9[%add3A_16, %dma_wait3A_51] : memref<10112x128xf32, #tpu.memory_space<vmem_shared>> -> memref<128x128xf32, #tpu.memory_space<vmem_shared>>
      tpu.wait_dma2 semaphore(%run_scoped3A : memref<!tpu.dma_semaphore, #tpu.memory_space<semaphore_mem>>) src(%arg8 : memref<128x128xf32, #tpu.memory_space<vmem>>) dst(%dma_wait3A_52 : memref<128x128xf32, #tpu.memory_space<vmem_shared>>)
      tpu.yield
    }) : () -> ()
    %add3A_17 = arith.constant 512 : i32
    %add3A_18 = arith.addi %mul3A_8, %add3A_17 : i32
    "tpu.region"() ({
      %run_scoped3A = tpu.sem_alloc : memref<!tpu.dma_semaphore, #tpu.memory_space<semaphore_mem>>
      %dma_start3A = arith.constant 0 : i32
      %dma_start3A_47 = arith.constant 0 : i32
      %dma_start3A_48 = tpu.memref_slice %arg8[%dma_start3A, %dma_start3A_47] : memref<128x128xf32, #tpu.memory_space<vmem>> -> memref<120x128xf32, #tpu.memory_space<vmem>>
      %dma_start3A_49 = arith.constant 0 : i32
      %dma_start3A_50 = tpu.memref_slice %arg9[%add3A_18, %dma_start3A_49] : memref<10112x128xf32, #tpu.memory_space<vmem_shared>> -> memref<120x128xf32, #tpu.memory_space<vmem_shared>>
      %dma_start3A_51 = arith.constant 0 : i32
      %dma_start3A_52 = tpu.memref_slice %arg9[%add3A_18, %dma_start3A_51] : memref<10112x128xf32, #tpu.memory_space<vmem_shared>> -> memref<120x128xf32, #tpu.memory_space<vmem_shared>>
      %dma_start3A_53 = arith.constant 0 : i32
      %dma_start3A_54 = arith.constant 0 : i32
      %dma_start3A_55 = tpu.memref_slice %arg8[%dma_start3A_53, %dma_start3A_54] : memref<128x128xf32, #tpu.memory_space<vmem>> -> memref<120x128xf32, #tpu.memory_space<vmem>>
      tpu.enqueue_dma source(%dma_start3A_55 : memref<120x128xf32, #tpu.memory_space<vmem>>) target(%dma_start3A_52 : memref<120x128xf32, #tpu.memory_space<vmem_shared>>) target_semaphore(%run_scoped3A : memref<!tpu.dma_semaphore, #tpu.memory_space<semaphore_mem>>)
      %dma_wait3A = arith.constant 0 : i32
      %dma_wait3A_56 = arith.constant 0 : i32
      %dma_wait3A_57 = tpu.memref_slice %arg8[%dma_wait3A, %dma_wait3A_56] : memref<128x128xf32, #tpu.memory_space<vmem>> -> memref<120x128xf32, #tpu.memory_space<vmem>>
      %dma_wait3A_58 = arith.constant 0 : i32
      %dma_wait3A_59 = tpu.memref_slice %arg9[%add3A_18, %dma_wait3A_58] : memref<10112x128xf32, #tpu.memory_space<vmem_shared>> -> memref<120x128xf32, #tpu.memory_space<vmem_shared>>
      %dma_wait3A_60 = arith.constant 0 : i32
      %dma_wait3A_61 = tpu.memref_slice %arg9[%add3A_18, %dma_wait3A_60] : memref<10112x128xf32, #tpu.memory_space<vmem_shared>> -> memref<120x128xf32, #tpu.memory_space<vmem_shared>>
      %dma_wait3A_62 = arith.constant 0 : i32
      %dma_wait3A_63 = arith.constant 0 : i32
      %dma_wait3A_64 = tpu.memref_slice %arg8[%dma_wait3A_62, %dma_wait3A_63] : memref<128x128xf32, #tpu.memory_space<vmem>> -> memref<120x128xf32, #tpu.memory_space<vmem>>
      tpu.wait_dma2 semaphore(%run_scoped3A : memref<!tpu.dma_semaphore, #tpu.memory_space<semaphore_mem>>) src(%dma_wait3A_64 : memref<120x128xf32, #tpu.memory_space<vmem>>) dst(%dma_wait3A_61 : memref<120x128xf32, #tpu.memory_space<vmem_shared>>)
      tpu.yield
    }) : () -> ()
    %barrier3A = arith.constant 0 : index
    tpu.barrier barrier_id(%barrier3A)
    "tpu.region"() ({
      %run_scoped3A = tpu.sem_alloc : memref<!tpu.dma_semaphore, #tpu.memory_space<semaphore_mem>>
      %dma_start3A = arith.constant 0 : i32
      %dma_start3A_47 = arith.constant 0 : i32
      %dma_start3A_48 = tpu.memref_slice %arg3[%add3A, %dma_start3A, %dma_start3A_47] : memref<32x80x128xi32, #tpu.memory_space<hbm>> -> memref<1x80x128xi32, #tpu.memory_space<hbm>>
      %dma_start3A_49 = tpu.memref_squeeze %dma_start3A_48 : memref<1x80x128xi32, #tpu.memory_space<hbm>> -> memref<80x128xi32, #tpu.memory_space<hbm>>
      %dma_start3A_50 = arith.constant 0 : i32
      %dma_start3A_51 = arith.constant 0 : i32
      %dma_start3A_52 = tpu.memref_slice %arg3[%add3A, %dma_start3A_50, %dma_start3A_51] : memref<32x80x128xi32, #tpu.memory_space<hbm>> -> memref<1x80x128xi32, #tpu.memory_space<hbm>>
      %dma_start3A_53 = tpu.memref_squeeze %dma_start3A_52 : memref<1x80x128xi32, #tpu.memory_space<hbm>> -> memref<80x128xi32, #tpu.memory_space<hbm>>
      tpu.enqueue_dma source(%dma_start3A_53 : memref<80x128xi32, #tpu.memory_space<hbm>>) target(%arg6 : memref<80x128xi32, #tpu.memory_space<vmem>>) target_semaphore(%run_scoped3A : memref<!tpu.dma_semaphore, #tpu.memory_space<semaphore_mem>>)
      %dma_wait3A = arith.constant 0 : i32
      %dma_wait3A_54 = arith.constant 0 : i32
      %dma_wait3A_55 = tpu.memref_slice %arg3[%add3A, %dma_wait3A, %dma_wait3A_54] : memref<32x80x128xi32, #tpu.memory_space<hbm>> -> memref<1x80x128xi32, #tpu.memory_space<hbm>>
      %dma_wait3A_56 = tpu.memref_squeeze %dma_wait3A_55 : memref<1x80x128xi32, #tpu.memory_space<hbm>> -> memref<80x128xi32, #tpu.memory_space<hbm>>
      %dma_wait3A_57 = arith.constant 0 : i32
      %dma_wait3A_58 = arith.constant 0 : i32
      %dma_wait3A_59 = tpu.memref_slice %arg3[%add3A, %dma_wait3A_57, %dma_wait3A_58] : memref<32x80x128xi32, #tpu.memory_space<hbm>> -> memref<1x80x128xi32, #tpu.memory_space<hbm>>
      %dma_wait3A_60 = tpu.memref_squeeze %dma_wait3A_59 : memref<1x80x128xi32, #tpu.memory_space<hbm>> -> memref<80x128xi32, #tpu.memory_space<hbm>>
      tpu.wait_dma2 semaphore(%run_scoped3A : memref<!tpu.dma_semaphore, #tpu.memory_space<semaphore_mem>>) src(%dma_wait3A_60 : memref<80x128xi32, #tpu.memory_space<hbm>>) dst(%arg6 : memref<80x128xi32, #tpu.memory_space<vmem>>)
      tpu.yield
    }) : () -> ()
    "tpu.region"() ({
      %run_scoped3A = tpu.sem_alloc : memref<!tpu.dma_semaphore, #tpu.memory_space<semaphore_mem>>
      %dma_start3A = arith.constant 0 : i32
      %dma_start3A_47 = arith.constant 0 : i32
      %dma_start3A_48 = tpu.memref_slice %arg4[%add3A, %dma_start3A, %dma_start3A_47] : memref<32x80x128xi32, #tpu.memory_space<hbm>> -> memref<1x80x128xi32, #tpu.memory_space<hbm>>
      %dma_start3A_49 = tpu.memref_squeeze %dma_start3A_48 : memref<1x80x128xi32, #tpu.memory_space<hbm>> -> memref<80x128xi32, #tpu.memory_space<hbm>>
      %dma_start3A_50 = arith.constant 0 : i32
      %dma_start3A_51 = arith.constant 0 : i32
      %dma_start3A_52 = tpu.memref_slice %arg4[%add3A, %dma_start3A_50, %dma_start3A_51] : memref<32x80x128xi32, #tpu.memory_space<hbm>> -> memref<1x80x128xi32, #tpu.memory_space<hbm>>
      %dma_start3A_53 = tpu.memref_squeeze %dma_start3A_52 : memref<1x80x128xi32, #tpu.memory_space<hbm>> -> memref<80x128xi32, #tpu.memory_space<hbm>>
      tpu.enqueue_dma source(%dma_start3A_53 : memref<80x128xi32, #tpu.memory_space<hbm>>) target(%arg7 : memref<80x128xi32, #tpu.memory_space<vmem>>) target_semaphore(%run_scoped3A : memref<!tpu.dma_semaphore, #tpu.memory_space<semaphore_mem>>)
      %dma_wait3A = arith.constant 0 : i32
      %dma_wait3A_54 = arith.constant 0 : i32
      %dma_wait3A_55 = tpu.memref_slice %arg4[%add3A, %dma_wait3A, %dma_wait3A_54] : memref<32x80x128xi32, #tpu.memory_space<hbm>> -> memref<1x80x128xi32, #tpu.memory_space<hbm>>
      %dma_wait3A_56 = tpu.memref_squeeze %dma_wait3A_55 : memref<1x80x128xi32, #tpu.memory_space<hbm>> -> memref<80x128xi32, #tpu.memory_space<hbm>>
      %dma_wait3A_57 = arith.constant 0 : i32
      %dma_wait3A_58 = arith.constant 0 : i32
      %dma_wait3A_59 = tpu.memref_slice %arg4[%add3A, %dma_wait3A_57, %dma_wait3A_58] : memref<32x80x128xi32, #tpu.memory_space<hbm>> -> memref<1x80x128xi32, #tpu.memory_space<hbm>>
      %dma_wait3A_60 = tpu.memref_squeeze %dma_wait3A_59 : memref<1x80x128xi32, #tpu.memory_space<hbm>> -> memref<80x128xi32, #tpu.memory_space<hbm>>
      tpu.wait_dma2 semaphore(%run_scoped3A : memref<!tpu.dma_semaphore, #tpu.memory_space<semaphore_mem>>) src(%dma_wait3A_60 : memref<80x128xi32, #tpu.memory_space<hbm>>) dst(%arg7 : memref<80x128xi32, #tpu.memory_space<vmem>>)
      tpu.yield
    }) : () -> ()
    %scan3A_19 = arith.constant 0 : i32
    %scan3A_20 = arith.constant 0 : i32
    %scan3A_21 = arith.constant 80 : i32
    %scan3A_22 = arith.addi %scan3A_20, %scan3A_21 : i32
    %scan3A_23 = arith.constant 1 : i32
    %scan3A_24 = scf.for %scan3A_47 = %scan3A_20 to %scan3A_22 step %scan3A_23 iter_args(%scan3A_48 = %scan3A_19) -> (i32)  : i32 {
      %dma_start3A = arith.constant 0 : i32
      %dma_start3A_49 = tpu.memref_slice %arg6[%scan3A_47, %dma_start3A] : memref<80x128xi32, #tpu.memory_space<vmem>> -> memref<1x128xi32, #tpu.memory_space<vmem>>
      %dma_start3A_50 = tpu.memref_squeeze %dma_start3A_49 : memref<1x128xi32, #tpu.memory_space<vmem>> -> memref<128xi32, #tpu.memory_space<vmem>>
      %dma_start3A_51 = arith.constant 0 : i32
      %dma_start3A_52 = arith.constant 0 : i32
      %dma_start3A_53 = tpu.memref_slice %arg2[%dma_start3A_51, %dma_start3A_52] : memref<10112x128xf32, #tpu.memory_space<hbm>> -> memref<10112x128xf32, #tpu.memory_space<hbm>>
      tpu.enqueue_indirect_dma source(%dma_start3A_53 : memref<10112x128xf32, #tpu.memory_space<hbm>>) target(%arg8 : memref<128x128xf32, #tpu.memory_space<vmem>>) offsets(%dma_start3A_50 : memref<128xi32, #tpu.memory_space<vmem>>) semaphore(%arg10 : memref<!tpu.dma_semaphore, #tpu.memory_space<semaphore_mem>>)
      %dma_wait3A = arith.constant 0 : i32
      %dma_wait3A_54 = tpu.memref_slice %arg6[%scan3A_47, %dma_wait3A] : memref<80x128xi32, #tpu.memory_space<vmem>> -> memref<1x128xi32, #tpu.memory_space<vmem>>
      %dma_wait3A_55 = tpu.memref_squeeze %dma_wait3A_54 : memref<1x128xi32, #tpu.memory_space<vmem>> -> memref<128xi32, #tpu.memory_space<vmem>>
      %dma_wait3A_56 = arith.constant 0 : i32
      %dma_wait3A_57 = arith.constant 0 : i32
      %dma_wait3A_58 = tpu.memref_slice %arg2[%dma_wait3A_56, %dma_wait3A_57] : memref<10112x128xf32, #tpu.memory_space<hbm>> -> memref<10112x128xf32, #tpu.memory_space<hbm>>
      tpu.wait_indirect_dma semaphore(%arg10 : memref<!tpu.dma_semaphore, #tpu.memory_space<semaphore_mem>>) src(%dma_wait3A_58 : memref<10112x128xf32, #tpu.memory_space<hbm>>) dst(%arg8 : memref<128x128xf32, #tpu.memory_space<vmem>>)
      "tpu.region"() ({
        %run_scoped3A = tpu.sem_alloc : memref<!tpu.dma_semaphore, #tpu.memory_space<semaphore_mem>>
        %dma_start3A_60 = arith.constant 0 : i32
        %dma_start3A_61 = tpu.memref_slice %arg7[%scan3A_47, %dma_start3A_60] : memref<80x128xi32, #tpu.memory_space<vmem>> -> memref<1x128xi32, #tpu.memory_space<vmem>>
        %dma_start3A_62 = tpu.memref_squeeze %dma_start3A_61 : memref<1x128xi32, #tpu.memory_space<vmem>> -> memref<128xi32, #tpu.memory_space<vmem>>
        %dma_start3A_63 = arith.constant 0 : i32
        %dma_start3A_64 = arith.constant 0 : i32
        %dma_start3A_65 = tpu.memref_slice %arg9[%dma_start3A_63, %dma_start3A_64] : memref<10112x128xf32, #tpu.memory_space<vmem_shared>> -> memref<10112x128xf32, #tpu.memory_space<vmem_shared>>
        tpu.enqueue_indirect_dma source(%arg8 : memref<128x128xf32, #tpu.memory_space<vmem>>) target(%dma_start3A_65 : memref<10112x128xf32, #tpu.memory_space<vmem_shared>>) offsets(%dma_start3A_62 : memref<128xi32, #tpu.memory_space<vmem>>) semaphore(%run_scoped3A : memref<!tpu.dma_semaphore, #tpu.memory_space<semaphore_mem>>) {add = true}
        %dma_wait3A_66 = arith.constant 0 : i32
        %dma_wait3A_67 = tpu.memref_slice %arg7[%scan3A_47, %dma_wait3A_66] : memref<80x128xi32, #tpu.memory_space<vmem>> -> memref<1x128xi32, #tpu.memory_space<vmem>>
        %dma_wait3A_68 = tpu.memref_squeeze %dma_wait3A_67 : memref<1x128xi32, #tpu.memory_space<vmem>> -> memref<128xi32, #tpu.memory_space<vmem>>
        %dma_wait3A_69 = arith.constant 0 : i32
        %dma_wait3A_70 = arith.constant 0 : i32
        %dma_wait3A_71 = tpu.memref_slice %arg9[%dma_wait3A_69, %dma_wait3A_70] : memref<10112x128xf32, #tpu.memory_space<vmem_shared>> -> memref<10112x128xf32, #tpu.memory_space<vmem_shared>>
        tpu.wait_indirect_dma semaphore(%run_scoped3A : memref<!tpu.dma_semaphore, #tpu.memory_space<semaphore_mem>>) src(%arg8 : memref<128x128xf32, #tpu.memory_space<vmem>>) dst(%dma_wait3A_71 : memref<10112x128xf32, #tpu.memory_space<vmem_shared>>)
        tpu.yield
      }) : () -> ()
      %scan3A_59 = arith.constant 0 : i32
      scf.yield %scan3A_59 : i32
    }
    %scan3A_25 = arith.constant 80 : i32
    %barrier3A_26 = arith.constant 0 : index
    tpu.barrier barrier_id(%barrier3A_26)
    %add3A_27 = arith.constant 0 : i32
    %add3A_28 = arith.addi %mul3A_8, %add3A_27 : i32
    %add3A_29 = arith.constant 0 : i32
    %add3A_30 = arith.addi %mul3A_8, %add3A_29 : i32
    "tpu.region"() ({
      %run_scoped3A = tpu.sem_alloc : memref<!tpu.dma_semaphore, #tpu.memory_space<semaphore_mem>>
      %dma_start3A = arith.constant 0 : i32
      %dma_start3A_47 = tpu.memref_slice %arg5[%arg0, %add3A_30, %dma_start3A] : memref<2x10112x128xf32, #tpu.memory_space<hbm>> -> memref<1x128x128xf32, #tpu.memory_space<hbm>>
      %dma_start3A_48 = tpu.memref_squeeze %dma_start3A_47 : memref<1x128x128xf32, #tpu.memory_space<hbm>> -> memref<128x128xf32, #tpu.memory_space<hbm>>
      %dma_start3A_49 = arith.constant 0 : i32
      %dma_start3A_50 = tpu.memref_slice %arg9[%add3A_28, %dma_start3A_49] : memref<10112x128xf32, #tpu.memory_space<vmem_shared>> -> memref<128x128xf32, #tpu.memory_space<vmem_shared>>
      tpu.enqueue_dma source(%dma_start3A_50 : memref<128x128xf32, #tpu.memory_space<vmem_shared>>) target(%dma_start3A_48 : memref<128x128xf32, #tpu.memory_space<hbm>>) target_semaphore(%run_scoped3A : memref<!tpu.dma_semaphore, #tpu.memory_space<semaphore_mem>>)
      %dma_wait3A = arith.constant 0 : i32
      %dma_wait3A_51 = tpu.memref_slice %arg5[%arg0, %add3A_30, %dma_wait3A] : memref<2x10112x128xf32, #tpu.memory_space<hbm>> -> memref<1x128x128xf32, #tpu.memory_space<hbm>>
      %dma_wait3A_52 = tpu.memref_squeeze %dma_wait3A_51 : memref<1x128x128xf32, #tpu.memory_space<hbm>> -> memref<128x128xf32, #tpu.memory_space<hbm>>
      %dma_wait3A_53 = arith.constant 0 : i32
      %dma_wait3A_54 = tpu.memref_slice %arg9[%add3A_28, %dma_wait3A_53] : memref<10112x128xf32, #tpu.memory_space<vmem_shared>> -> memref<128x128xf32, #tpu.memory_space<vmem_shared>>
      tpu.wait_dma2 semaphore(%run_scoped3A : memref<!tpu.dma_semaphore, #tpu.memory_space<semaphore_mem>>) src(%dma_wait3A_54 : memref<128x128xf32, #tpu.memory_space<vmem_shared>>) dst(%dma_wait3A_52 : memref<128x128xf32, #tpu.memory_space<hbm>>)
      tpu.yield
    }) : () -> ()
    %add3A_31 = arith.constant 128 : i32
    %add3A_32 = arith.addi %mul3A_8, %add3A_31 : i32
    %add3A_33 = arith.constant 128 : i32
    %add3A_34 = arith.addi %mul3A_8, %add3A_33 : i32
    "tpu.region"() ({
      %run_scoped3A = tpu.sem_alloc : memref<!tpu.dma_semaphore, #tpu.memory_space<semaphore_mem>>
      %dma_start3A = arith.constant 0 : i32
      %dma_start3A_47 = tpu.memref_slice %arg5[%arg0, %add3A_34, %dma_start3A] : memref<2x10112x128xf32, #tpu.memory_space<hbm>> -> memref<1x128x128xf32, #tpu.memory_space<hbm>>
      %dma_start3A_48 = tpu.memref_squeeze %dma_start3A_47 : memref<1x128x128xf32, #tpu.memory_space<hbm>> -> memref<128x128xf32, #tpu.memory_space<hbm>>
      %dma_start3A_49 = arith.constant 0 : i32
      %dma_start3A_50 = tpu.memref_slice %arg9[%add3A_32, %dma_start3A_49] : memref<10112x128xf32, #tpu.memory_space<vmem_shared>> -> memref<128x128xf32, #tpu.memory_space<vmem_shared>>
      tpu.enqueue_dma source(%dma_start3A_50 : memref<128x128xf32, #tpu.memory_space<vmem_shared>>) target(%dma_start3A_48 : memref<128x128xf32, #tpu.memory_space<hbm>>) target_semaphore(%run_scoped3A : memref<!tpu.dma_semaphore, #tpu.memory_space<semaphore_mem>>)
      %dma_wait3A = arith.constant 0 : i32
      %dma_wait3A_51 = tpu.memref_slice %arg5[%arg0, %add3A_34, %dma_wait3A] : memref<2x10112x128xf32, #tpu.memory_space<hbm>> -> memref<1x128x128xf32, #tpu.memory_space<hbm>>
      %dma_wait3A_52 = tpu.memref_squeeze %dma_wait3A_51 : memref<1x128x128xf32, #tpu.memory_space<hbm>> -> memref<128x128xf32, #tpu.memory_space<hbm>>
      %dma_wait3A_53 = arith.constant 0 : i32
      %dma_wait3A_54 = tpu.memref_slice %arg9[%add3A_32, %dma_wait3A_53] : memref<10112x128xf32, #tpu.memory_space<vmem_shared>> -> memref<128x128xf32, #tpu.memory_space<vmem_shared>>
      tpu.wait_dma2 semaphore(%run_scoped3A : memref<!tpu.dma_semaphore, #tpu.memory_space<semaphore_mem>>) src(%dma_wait3A_54 : memref<128x128xf32, #tpu.memory_space<vmem_shared>>) dst(%dma_wait3A_52 : memref<128x128xf32, #tpu.memory_space<hbm>>)
      tpu.yield
    }) : () -> ()
    %add3A_35 = arith.constant 256 : i32
    %add3A_36 = arith.addi %mul3A_8, %add3A_35 : i32
    %add3A_37 = arith.constant 256 : i32
    %add3A_38 = arith.addi %mul3A_8, %add3A_37 : i32
    "tpu.region"() ({
      %run_scoped3A = tpu.sem_alloc : memref<!tpu.dma_semaphore, #tpu.memory_space<semaphore_mem>>
      %dma_start3A = arith.constant 0 : i32
      %dma_start3A_47 = tpu.memref_slice %arg5[%arg0, %add3A_38, %dma_start3A] : memref<2x10112x128xf32, #tpu.memory_space<hbm>> -> memref<1x128x128xf32, #tpu.memory_space<hbm>>
      %dma_start3A_48 = tpu.memref_squeeze %dma_start3A_47 : memref<1x128x128xf32, #tpu.memory_space<hbm>> -> memref<128x128xf32, #tpu.memory_space<hbm>>
      %dma_start3A_49 = arith.constant 0 : i32
      %dma_start3A_50 = tpu.memref_slice %arg9[%add3A_36, %dma_start3A_49] : memref<10112x128xf32, #tpu.memory_space<vmem_shared>> -> memref<128x128xf32, #tpu.memory_space<vmem_shared>>
      tpu.enqueue_dma source(%dma_start3A_50 : memref<128x128xf32, #tpu.memory_space<vmem_shared>>) target(%dma_start3A_48 : memref<128x128xf32, #tpu.memory_space<hbm>>) target_semaphore(%run_scoped3A : memref<!tpu.dma_semaphore, #tpu.memory_space<semaphore_mem>>)
      %dma_wait3A = arith.constant 0 : i32
      %dma_wait3A_51 = tpu.memref_slice %arg5[%arg0, %add3A_38, %dma_wait3A] : memref<2x10112x128xf32, #tpu.memory_space<hbm>> -> memref<1x128x128xf32, #tpu.memory_space<hbm>>
      %dma_wait3A_52 = tpu.memref_squeeze %dma_wait3A_51 : memref<1x128x128xf32, #tpu.memory_space<hbm>> -> memref<128x128xf32, #tpu.memory_space<hbm>>
      %dma_wait3A_53 = arith.constant 0 : i32
      %dma_wait3A_54 = tpu.memref_slice %arg9[%add3A_36, %dma_wait3A_53] : memref<10112x128xf32, #tpu.memory_space<vmem_shared>> -> memref<128x128xf32, #tpu.memory_space<vmem_shared>>
      tpu.wait_dma2 semaphore(%run_scoped3A : memref<!tpu.dma_semaphore, #tpu.memory_space<semaphore_mem>>) src(%dma_wait3A_54 : memref<128x128xf32, #tpu.memory_space<vmem_shared>>) dst(%dma_wait3A_52 : memref<128x128xf32, #tpu.memory_space<hbm>>)
      tpu.yield
    }) : () -> ()
    %add3A_39 = arith.constant 384 : i32
    %add3A_40 = arith.addi %mul3A_8, %add3A_39 : i32
    %add3A_41 = arith.constant 384 : i32
    %add3A_42 = arith.addi %mul3A_8, %add3A_41 : i32
    "tpu.region"() ({
      %run_scoped3A = tpu.sem_alloc : memref<!tpu.dma_semaphore, #tpu.memory_space<semaphore_mem>>
      %dma_start3A = arith.constant 0 : i32
      %dma_start3A_47 = tpu.memref_slice %arg5[%arg0, %add3A_42, %dma_start3A] : memref<2x10112x128xf32, #tpu.memory_space<hbm>> -> memref<1x128x128xf32, #tpu.memory_space<hbm>>
      %dma_start3A_48 = tpu.memref_squeeze %dma_start3A_47 : memref<1x128x128xf32, #tpu.memory_space<hbm>> -> memref<128x128xf32, #tpu.memory_space<hbm>>
      %dma_start3A_49 = arith.constant 0 : i32
      %dma_start3A_50 = tpu.memref_slice %arg9[%add3A_40, %dma_start3A_49] : memref<10112x128xf32, #tpu.memory_space<vmem_shared>> -> memref<128x128xf32, #tpu.memory_space<vmem_shared>>
      tpu.enqueue_dma source(%dma_start3A_50 : memref<128x128xf32, #tpu.memory_space<vmem_shared>>) target(%dma_start3A_48 : memref<128x128xf32, #tpu.memory_space<hbm>>) target_semaphore(%run_scoped3A : memref<!tpu.dma_semaphore, #tpu.memory_space<semaphore_mem>>)
      %dma_wait3A = arith.constant 0 : i32
      %dma_wait3A_51 = tpu.memref_slice %arg5[%arg0, %add3A_42, %dma_wait3A] : memref<2x10112x128xf32, #tpu.memory_space<hbm>> -> memref<1x128x128xf32, #tpu.memory_space<hbm>>
      %dma_wait3A_52 = tpu.memref_squeeze %dma_wait3A_51 : memref<1x128x128xf32, #tpu.memory_space<hbm>> -> memref<128x128xf32, #tpu.memory_space<hbm>>
      %dma_wait3A_53 = arith.constant 0 : i32
      %dma_wait3A_54 = tpu.memref_slice %arg9[%add3A_40, %dma_wait3A_53] : memref<10112x128xf32, #tpu.memory_space<vmem_shared>> -> memref<128x128xf32, #tpu.memory_space<vmem_shared>>
      tpu.wait_dma2 semaphore(%run_scoped3A : memref<!tpu.dma_semaphore, #tpu.memory_space<semaphore_mem>>) src(%dma_wait3A_54 : memref<128x128xf32, #tpu.memory_space<vmem_shared>>) dst(%dma_wait3A_52 : memref<128x128xf32, #tpu.memory_space<hbm>>)
      tpu.yield
    }) : () -> ()
    %add3A_43 = arith.constant 512 : i32
    %add3A_44 = arith.addi %mul3A_8, %add3A_43 : i32
    %add3A_45 = arith.constant 512 : i32
    %add3A_46 = arith.addi %mul3A_8, %add3A_45 : i32
    "tpu.region"() ({
      %run_scoped3A = tpu.sem_alloc : memref<!tpu.dma_semaphore, #tpu.memory_space<semaphore_mem>>
      %dma_start3A = arith.constant 0 : i32
      %dma_start3A_47 = tpu.memref_slice %arg5[%arg0, %add3A_46, %dma_start3A] : memref<2x10112x128xf32, #tpu.memory_space<hbm>> -> memref<1x120x128xf32, #tpu.memory_space<hbm>>
      %dma_start3A_48 = tpu.memref_squeeze %dma_start3A_47 : memref<1x120x128xf32, #tpu.memory_space<hbm>> -> memref<120x128xf32, #tpu.memory_space<hbm>>
      %dma_start3A_49 = arith.constant 0 : i32
      %dma_start3A_50 = tpu.memref_slice %arg9[%add3A_44, %dma_start3A_49] : memref<10112x128xf32, #tpu.memory_space<vmem_shared>> -> memref<120x128xf32, #tpu.memory_space<vmem_shared>>
      tpu.enqueue_dma source(%dma_start3A_50 : memref<120x128xf32, #tpu.memory_space<vmem_shared>>) target(%dma_start3A_48 : memref<120x128xf32, #tpu.memory_space<hbm>>) target_semaphore(%run_scoped3A : memref<!tpu.dma_semaphore, #tpu.memory_space<semaphore_mem>>)
      %dma_wait3A = arith.constant 0 : i32
      %dma_wait3A_51 = tpu.memref_slice %arg5[%arg0, %add3A_46, %dma_wait3A] : memref<2x10112x128xf32, #tpu.memory_space<hbm>> -> memref<1x120x128xf32, #tpu.memory_space<hbm>>
      %dma_wait3A_52 = tpu.memref_squeeze %dma_wait3A_51 : memref<1x120x128xf32, #tpu.memory_space<hbm>> -> memref<120x128xf32, #tpu.memory_space<hbm>>
      %dma_wait3A_53 = arith.constant 0 : i32
      %dma_wait3A_54 = tpu.memref_slice %arg9[%add3A_44, %dma_wait3A_53] : memref<10112x128xf32, #tpu.memory_space<vmem_shared>> -> memref<120x128xf32, #tpu.memory_space<vmem_shared>>
      tpu.wait_dma2 semaphore(%run_scoped3A : memref<!tpu.dma_semaphore, #tpu.memory_space<semaphore_mem>>) src(%dma_wait3A_54 : memref<120x128xf32, #tpu.memory_space<vmem_shared>>) dst(%dma_wait3A_52 : memref<120x128xf32, #tpu.memory_space<hbm>>)
      tpu.yield
    }) : () -> ()
    return
  }
}

#map = affine_map<(d0, d1) -> (0, 0)>
#map1 = affine_map<(d0, d1) -> (0, 0, 0)>
module attributes {stable_mosaic.version = 14 : i64} {
  func.func @_sc_scatter(%arg0: i32, %arg1: i32, %arg2: memref<10112x128xf32, #tpu.memory_space<hbm>>, %arg3: memref<32x80x128xi32, #tpu.memory_space<hbm>>, %arg4: memref<32x80x128xi32, #tpu.memory_space<hbm>>, %arg5: memref<2x10112x128xf32, #tpu.memory_space<hbm>>, %arg6: memref<80x128xi32, #tpu.memory_space<vmem>>, %arg7: memref<80x128xi32, #tpu.memory_space<vmem>>, %arg8: memref<128x128xf32, #tpu.memory_space<vmem>>, %arg9: memref<10112x128xf32, #tpu.memory_space<vmem_shared>>, %arg10: memref<!tpu.dma_semaphore, #tpu.memory_space<semaphore_mem>>) attributes {dimension_semantics = [#tpu.dimension_semantics<core_parallel>, #tpu.dimension_semantics<subcore_parallel>], iteration_bounds = array<i64: 2, 16>, scalar_prefetch = 0 : i64, scratch_operands = 5 : i64, tpu.core_type = #tpu.core_type<sc_vector_subcore>, window_params = [{transform_indices = #map}, {transform_indices = #map1}, {transform_indices = #map1}, {transform_indices = #map1}]} {
    %mul3A = arith.constant 16 : i32
    %mul3A_0 = arith.muli %arg0, %mul3A : i32
    %add3A = arith.addi %mul3A_0, %arg1 : i32
    %scan3A = arith.constant 0 : i32
    %scan3A_1 = arith.constant 0 : i32
    %scan3A_2 = arith.constant 128 : i32
    %scan3A_3 = arith.addi %scan3A_1, %scan3A_2 : i32
    %scan3A_4 = arith.constant 1 : i32
    %scan3A_5 = scf.for %scan3A_47 = %scan3A_1 to %scan3A_3 step %scan3A_4 iter_args(%scan3A_48 = %scan3A) -> (i32)  : i32 {
      %scan3A_49 = arith.constant 0 : i32
      %scan3A_50 = arith.constant 0 : i32
      %scan3A_51 = arith.constant 8 : i32
      %scan3A_52 = arith.addi %scan3A_50, %scan3A_51 : i32
      %scan3A_53 = arith.constant 1 : i32
      %scan3A_54 = scf.for %scan3A_57 = %scan3A_50 to %scan3A_52 step %scan3A_53 iter_args(%scan3A_58 = %scan3A_49) -> (i32)  : i32 {
        %broadcast_in_dim3A = arith.constant 0.000000e+00 : f32
        %broadcast_in_dim3A_59 = vector.broadcast %broadcast_in_dim3A : f32 to vector<16xf32>
        %mul3A_60 = arith.constant 16 : i32
        %mul3A_61 = arith.muli %scan3A_57, %mul3A_60 : i32
        %swap3A = arith.index_cast %scan3A_47 : i32 to index
        %swap3A_62 = arith.index_cast %mul3A_61 : i32 to index
        %swap3A_63 = tpu.vector_load %arg8[%swap3A, %swap3A_62] {strides = array<i32>} : memref<128x128xf32, #tpu.memory_space<vmem>>, vector<1x16xf32>,
        %swap3A_64 = vector.shape_cast %swap3A_63 : vector<1x16xf32> to vector<16xf32>
        %swap3A_65 = vector.shape_cast %broadcast_in_dim3A_59 : vector<16xf32> to vector<1x16xf32>
        tpu.vector_store %arg8[%swap3A, %swap3A_62], %swap3A_65 {strides = array<i32>} : memref<128x128xf32, #tpu.memory_space<vmem>>, vector<1x16xf32>,
        %scan3A_66 = arith.constant 0 : i32
        scf.yield %scan3A_66 : i32
      }
      %scan3A_55 = arith.constant 8 : i32
      %scan3A_56 = arith.constant 0 : i32
      scf.yield %scan3A_56 : i32
    }
    %scan3A_6 = arith.constant 128 : i32
    %mul3A_7 = arith.constant 632 : i32
    %mul3A_8 = arith.muli %arg1, %mul3A_7 : i32
    %add3A_9 = arith.constant 0 : i32
    %add3A_10 = arith.addi %mul3A_8, %add3A_9 : i32
    "tpu.region"() ({
      %run_scoped3A = tpu.sem_alloc : memref<!tpu.dma_semaphore, #tpu.memory_space<semaphore_mem>>
      %dma_start3A = arith.constant 0 : i32
      %dma_start3A_47 = tpu.memref_slice %arg9[%add3A_10, %dma_start3A] : memref<10112x128xf32, #tpu.memory_space<vmem_shared>> -> memref<128x128xf32, #tpu.memory_space<vmem_shared>>
      %dma_start3A_48 = arith.constant 0 : i32
      %dma_start3A_49 = tpu.memref_slice %arg9[%add3A_10, %dma_start3A_48] : memref<10112x128xf32, #tpu.memory_space<vmem_shared>> -> memref<128x128xf32, #tpu.memory_space<vmem_shared>>
      tpu.enqueue_dma source(%arg8 : memref<128x128xf32, #tpu.memory_space<vmem>>) target(%dma_start3A_49 : memref<128x128xf32, #tpu.memory_space<vmem_shared>>) target_semaphore(%run_scoped3A : memref<!tpu.dma_semaphore, #tpu.memory_space<semaphore_mem>>)
      %dma_wait3A = arith.constant 0 : i32
      %dma_wait3A_50 = tpu.memref_slice %arg9[%add3A_10, %dma_wait3A] : memref<10112x128xf32, #tpu.memory_space<vmem_shared>> -> memref<128x128xf32, #tpu.memory_space<vmem_shared>>
      %dma_wait3A_51 = arith.constant 0 : i32
      %dma_wait3A_52 = tpu.memref_slice %arg9[%add3A_10, %dma_wait3A_51] : memref<10112x128xf32, #tpu.memory_space<vmem_shared>> -> memref<128x128xf32, #tpu.memory_space<vmem_shared>>
      tpu.wait_dma2 semaphore(%run_scoped3A : memref<!tpu.dma_semaphore, #tpu.memory_space<semaphore_mem>>) src(%arg8 : memref<128x128xf32, #tpu.memory_space<vmem>>) dst(%dma_wait3A_52 : memref<128x128xf32, #tpu.memory_space<vmem_shared>>)
      tpu.yield
    }) : () -> ()
    %add3A_11 = arith.constant 128 : i32
    %add3A_12 = arith.addi %mul3A_8, %add3A_11 : i32
    "tpu.region"() ({
      %run_scoped3A = tpu.sem_alloc : memref<!tpu.dma_semaphore, #tpu.memory_space<semaphore_mem>>
      %dma_start3A = arith.constant 0 : i32
      %dma_start3A_47 = tpu.memref_slice %arg9[%add3A_12, %dma_start3A] : memref<10112x128xf32, #tpu.memory_space<vmem_shared>> -> memref<128x128xf32, #tpu.memory_space<vmem_shared>>
      %dma_start3A_48 = arith.constant 0 : i32
      %dma_start3A_49 = tpu.memref_slice %arg9[%add3A_12, %dma_start3A_48] : memref<10112x128xf32, #tpu.memory_space<vmem_shared>> -> memref<128x128xf32, #tpu.memory_space<vmem_shared>>
      tpu.enqueue_dma source(%arg8 : memref<128x128xf32, #tpu.memory_space<vmem>>) target(%dma_start3A_49 : memref<128x128xf32, #tpu.memory_space<vmem_shared>>) target_semaphore(%run_scoped3A : memref<!tpu.dma_semaphore, #tpu.memory_space<semaphore_mem>>)
      %dma_wait3A = arith.constant 0 : i32
      %dma_wait3A_50 = tpu.memref_slice %arg9[%add3A_12, %dma_wait3A] : memref<10112x128xf32, #tpu.memory_space<vmem_shared>> -> memref<128x128xf32, #tpu.memory_space<vmem_shared>>
      %dma_wait3A_51 = arith.constant 0 : i32
      %dma_wait3A_52 = tpu.memref_slice %arg9[%add3A_12, %dma_wait3A_51] : memref<10112x128xf32, #tpu.memory_space<vmem_shared>> -> memref<128x128xf32, #tpu.memory_space<vmem_shared>>
      tpu.wait_dma2 semaphore(%run_scoped3A : memref<!tpu.dma_semaphore, #tpu.memory_space<semaphore_mem>>) src(%arg8 : memref<128x128xf32, #tpu.memory_space<vmem>>) dst(%dma_wait3A_52 : memref<128x128xf32, #tpu.memory_space<vmem_shared>>)
      tpu.yield
    }) : () -> ()
    %add3A_13 = arith.constant 256 : i32
    %add3A_14 = arith.addi %mul3A_8, %add3A_13 : i32
    "tpu.region"() ({
      %run_scoped3A = tpu.sem_alloc : memref<!tpu.dma_semaphore, #tpu.memory_space<semaphore_mem>>
      %dma_start3A = arith.constant 0 : i32
      %dma_start3A_47 = tpu.memref_slice %arg9[%add3A_14, %dma_start3A] : memref<10112x128xf32, #tpu.memory_space<vmem_shared>> -> memref<128x128xf32, #tpu.memory_space<vmem_shared>>
      %dma_start3A_48 = arith.constant 0 : i32
      %dma_start3A_49 = tpu.memref_slice %arg9[%add3A_14, %dma_start3A_48] : memref<10112x128xf32, #tpu.memory_space<vmem_shared>> -> memref<128x128xf32, #tpu.memory_space<vmem_shared>>
      tpu.enqueue_dma source(%arg8 : memref<128x128xf32, #tpu.memory_space<vmem>>) target(%dma_start3A_49 : memref<128x128xf32, #tpu.memory_space<vmem_shared>>) target_semaphore(%run_scoped3A : memref<!tpu.dma_semaphore, #tpu.memory_space<semaphore_mem>>)
      %dma_wait3A = arith.constant 0 : i32
      %dma_wait3A_50 = tpu.memref_slice %arg9[%add3A_14, %dma_wait3A] : memref<10112x128xf32, #tpu.memory_space<vmem_shared>> -> memref<128x128xf32, #tpu.memory_space<vmem_shared>>
      %dma_wait3A_51 = arith.constant 0 : i32
      %dma_wait3A_52 = tpu.memref_slice %arg9[%add3A_14, %dma_wait3A_51] : memref<10112x128xf32, #tpu.memory_space<vmem_shared>> -> memref<128x128xf32, #tpu.memory_space<vmem_shared>>
      tpu.wait_dma2 semaphore(%run_scoped3A : memref<!tpu.dma_semaphore, #tpu.memory_space<semaphore_mem>>) src(%arg8 : memref<128x128xf32, #tpu.memory_space<vmem>>) dst(%dma_wait3A_52 : memref<128x128xf32, #tpu.memory_space<vmem_shared>>)
      tpu.yield
    }) : () -> ()
    %add3A_15 = arith.constant 384 : i32
    %add3A_16 = arith.addi %mul3A_8, %add3A_15 : i32
    "tpu.region"() ({
      %run_scoped3A = tpu.sem_alloc : memref<!tpu.dma_semaphore, #tpu.memory_space<semaphore_mem>>
      %dma_start3A = arith.constant 0 : i32
      %dma_start3A_47 = tpu.memref_slice %arg9[%add3A_16, %dma_start3A] : memref<10112x128xf32, #tpu.memory_space<vmem_shared>> -> memref<128x128xf32, #tpu.memory_space<vmem_shared>>
      %dma_start3A_48 = arith.constant 0 : i32
      %dma_start3A_49 = tpu.memref_slice %arg9[%add3A_16, %dma_start3A_48] : memref<10112x128xf32, #tpu.memory_space<vmem_shared>> -> memref<128x128xf32, #tpu.memory_space<vmem_shared>>
      tpu.enqueue_dma source(%arg8 : memref<128x128xf32, #tpu.memory_space<vmem>>) target(%dma_start3A_49 : memref<128x128xf32, #tpu.memory_space<vmem_shared>>) target_semaphore(%run_scoped3A : memref<!tpu.dma_semaphore, #tpu.memory_space<semaphore_mem>>)
      %dma_wait3A = arith.constant 0 : i32
      %dma_wait3A_50 = tpu.memref_slice %arg9[%add3A_16, %dma_wait3A] : memref<10112x128xf32, #tpu.memory_space<vmem_shared>> -> memref<128x128xf32, #tpu.memory_space<vmem_shared>>
      %dma_wait3A_51 = arith.constant 0 : i32
      %dma_wait3A_52 = tpu.memref_slice %arg9[%add3A_16, %dma_wait3A_51] : memref<10112x128xf32, #tpu.memory_space<vmem_shared>> -> memref<128x128xf32, #tpu.memory_space<vmem_shared>>
      tpu.wait_dma2 semaphore(%run_scoped3A : memref<!tpu.dma_semaphore, #tpu.memory_space<semaphore_mem>>) src(%arg8 : memref<128x128xf32, #tpu.memory_space<vmem>>) dst(%dma_wait3A_52 : memref<128x128xf32, #tpu.memory_space<vmem_shared>>)
      tpu.yield
    }) : () -> ()
    %add3A_17 = arith.constant 512 : i32
    %add3A_18 = arith.addi %mul3A_8, %add3A_17 : i32
    "tpu.region"() ({
      %run_scoped3A = tpu.sem_alloc : memref<!tpu.dma_semaphore, #tpu.memory_space<semaphore_mem>>
      %dma_start3A = arith.constant 0 : i32
      %dma_start3A_47 = arith.constant 0 : i32
      %dma_start3A_48 = tpu.memref_slice %arg8[%dma_start3A, %dma_start3A_47] : memref<128x128xf32, #tpu.memory_space<vmem>> -> memref<120x128xf32, #tpu.memory_space<vmem>>
      %dma_start3A_49 = arith.constant 0 : i32
      %dma_start3A_50 = tpu.memref_slice %arg9[%add3A_18, %dma_start3A_49] : memref<10112x128xf32, #tpu.memory_space<vmem_shared>> -> memref<120x128xf32, #tpu.memory_space<vmem_shared>>
      %dma_start3A_51 = arith.constant 0 : i32
      %dma_start3A_52 = tpu.memref_slice %arg9[%add3A_18, %dma_start3A_51] : memref<10112x128xf32, #tpu.memory_space<vmem_shared>> -> memref<120x128xf32, #tpu.memory_space<vmem_shared>>
      %dma_start3A_53 = arith.constant 0 : i32
      %dma_start3A_54 = arith.constant 0 : i32
      %dma_start3A_55 = tpu.memref_slice %arg8[%dma_start3A_53, %dma_start3A_54] : memref<128x128xf32, #tpu.memory_space<vmem>> -> memref<120x128xf32, #tpu.memory_space<vmem>>
      tpu.enqueue_dma source(%dma_start3A_55 : memref<120x128xf32, #tpu.memory_space<vmem>>) target(%dma_start3A_52 : memref<120x128xf32, #tpu.memory_space<vmem_shared>>) target_semaphore(%run_scoped3A : memref<!tpu.dma_semaphore, #tpu.memory_space<semaphore_mem>>)
      %dma_wait3A = arith.constant 0 : i32
      %dma_wait3A_56 = arith.constant 0 : i32
      %dma_wait3A_57 = tpu.memref_slice %arg8[%dma_wait3A, %dma_wait3A_56] : memref<128x128xf32, #tpu.memory_space<vmem>> -> memref<120x128xf32, #tpu.memory_space<vmem>>
      %dma_wait3A_58 = arith.constant 0 : i32
      %dma_wait3A_59 = tpu.memref_slice %arg9[%add3A_18, %dma_wait3A_58] : memref<10112x128xf32, #tpu.memory_space<vmem_shared>> -> memref<120x128xf32, #tpu.memory_space<vmem_shared>>
      %dma_wait3A_60 = arith.constant 0 : i32
      %dma_wait3A_61 = tpu.memref_slice %arg9[%add3A_18, %dma_wait3A_60] : memref<10112x128xf32, #tpu.memory_space<vmem_shared>> -> memref<120x128xf32, #tpu.memory_space<vmem_shared>>
      %dma_wait3A_62 = arith.constant 0 : i32
      %dma_wait3A_63 = arith.constant 0 : i32
      %dma_wait3A_64 = tpu.memref_slice %arg8[%dma_wait3A_62, %dma_wait3A_63] : memref<128x128xf32, #tpu.memory_space<vmem>> -> memref<120x128xf32, #tpu.memory_space<vmem>>
      tpu.wait_dma2 semaphore(%run_scoped3A : memref<!tpu.dma_semaphore, #tpu.memory_space<semaphore_mem>>) src(%dma_wait3A_64 : memref<120x128xf32, #tpu.memory_space<vmem>>) dst(%dma_wait3A_61 : memref<120x128xf32, #tpu.memory_space<vmem_shared>>)
      tpu.yield
    }) : () -> ()
    %barrier3A = arith.constant 0 : index
    tpu.barrier barrier_id(%barrier3A)
    "tpu.region"() ({
      %run_scoped3A = tpu.sem_alloc : memref<!tpu.dma_semaphore, #tpu.memory_space<semaphore_mem>>
      %dma_start3A = arith.constant 0 : i32
      %dma_start3A_47 = arith.constant 0 : i32
      %dma_start3A_48 = tpu.memref_slice %arg3[%add3A, %dma_start3A, %dma_start3A_47] : memref<32x80x128xi32, #tpu.memory_space<hbm>> -> memref<1x80x128xi32, #tpu.memory_space<hbm>>
      %dma_start3A_49 = tpu.memref_squeeze %dma_start3A_48 : memref<1x80x128xi32, #tpu.memory_space<hbm>> -> memref<80x128xi32, #tpu.memory_space<hbm>>
      %dma_start3A_50 = arith.constant 0 : i32
      %dma_start3A_51 = arith.constant 0 : i32
      %dma_start3A_52 = tpu.memref_slice %arg3[%add3A, %dma_start3A_50, %dma_start3A_51] : memref<32x80x128xi32, #tpu.memory_space<hbm>> -> memref<1x80x128xi32, #tpu.memory_space<hbm>>
      %dma_start3A_53 = tpu.memref_squeeze %dma_start3A_52 : memref<1x80x128xi32, #tpu.memory_space<hbm>> -> memref<80x128xi32, #tpu.memory_space<hbm>>
      tpu.enqueue_dma source(%dma_start3A_53 : memref<80x128xi32, #tpu.memory_space<hbm>>) target(%arg6 : memref<80x128xi32, #tpu.memory_space<vmem>>) target_semaphore(%run_scoped3A : memref<!tpu.dma_semaphore, #tpu.memory_space<semaphore_mem>>)
      %dma_wait3A = arith.constant 0 : i32
      %dma_wait3A_54 = arith.constant 0 : i32
      %dma_wait3A_55 = tpu.memref_slice %arg3[%add3A, %dma_wait3A, %dma_wait3A_54] : memref<32x80x128xi32, #tpu.memory_space<hbm>> -> memref<1x80x128xi32, #tpu.memory_space<hbm>>
      %dma_wait3A_56 = tpu.memref_squeeze %dma_wait3A_55 : memref<1x80x128xi32, #tpu.memory_space<hbm>> -> memref<80x128xi32, #tpu.memory_space<hbm>>
      %dma_wait3A_57 = arith.constant 0 : i32
      %dma_wait3A_58 = arith.constant 0 : i32
      %dma_wait3A_59 = tpu.memref_slice %arg3[%add3A, %dma_wait3A_57, %dma_wait3A_58] : memref<32x80x128xi32, #tpu.memory_space<hbm>> -> memref<1x80x128xi32, #tpu.memory_space<hbm>>
      %dma_wait3A_60 = tpu.memref_squeeze %dma_wait3A_59 : memref<1x80x128xi32, #tpu.memory_space<hbm>> -> memref<80x128xi32, #tpu.memory_space<hbm>>
      tpu.wait_dma2 semaphore(%run_scoped3A : memref<!tpu.dma_semaphore, #tpu.memory_space<semaphore_mem>>) src(%dma_wait3A_60 : memref<80x128xi32, #tpu.memory_space<hbm>>) dst(%arg6 : memref<80x128xi32, #tpu.memory_space<vmem>>)
      tpu.yield
    }) : () -> ()
    "tpu.region"() ({
      %run_scoped3A = tpu.sem_alloc : memref<!tpu.dma_semaphore, #tpu.memory_space<semaphore_mem>>
      %dma_start3A = arith.constant 0 : i32
      %dma_start3A_47 = arith.constant 0 : i32
      %dma_start3A_48 = tpu.memref_slice %arg4[%add3A, %dma_start3A, %dma_start3A_47] : memref<32x80x128xi32, #tpu.memory_space<hbm>> -> memref<1x80x128xi32, #tpu.memory_space<hbm>>
      %dma_start3A_49 = tpu.memref_squeeze %dma_start3A_48 : memref<1x80x128xi32, #tpu.memory_space<hbm>> -> memref<80x128xi32, #tpu.memory_space<hbm>>
      %dma_start3A_50 = arith.constant 0 : i32
      %dma_start3A_51 = arith.constant 0 : i32
      %dma_start3A_52 = tpu.memref_slice %arg4[%add3A, %dma_start3A_50, %dma_start3A_51] : memref<32x80x128xi32, #tpu.memory_space<hbm>> -> memref<1x80x128xi32, #tpu.memory_space<hbm>>
      %dma_start3A_53 = tpu.memref_squeeze %dma_start3A_52 : memref<1x80x128xi32, #tpu.memory_space<hbm>> -> memref<80x128xi32, #tpu.memory_space<hbm>>
      tpu.enqueue_dma source(%dma_start3A_53 : memref<80x128xi32, #tpu.memory_space<hbm>>) target(%arg7 : memref<80x128xi32, #tpu.memory_space<vmem>>) target_semaphore(%run_scoped3A : memref<!tpu.dma_semaphore, #tpu.memory_space<semaphore_mem>>)
      %dma_wait3A = arith.constant 0 : i32
      %dma_wait3A_54 = arith.constant 0 : i32
      %dma_wait3A_55 = tpu.memref_slice %arg4[%add3A, %dma_wait3A, %dma_wait3A_54] : memref<32x80x128xi32, #tpu.memory_space<hbm>> -> memref<1x80x128xi32, #tpu.memory_space<hbm>>
      %dma_wait3A_56 = tpu.memref_squeeze %dma_wait3A_55 : memref<1x80x128xi32, #tpu.memory_space<hbm>> -> memref<80x128xi32, #tpu.memory_space<hbm>>
      %dma_wait3A_57 = arith.constant 0 : i32
      %dma_wait3A_58 = arith.constant 0 : i32
      %dma_wait3A_59 = tpu.memref_slice %arg4[%add3A, %dma_wait3A_57, %dma_wait3A_58] : memref<32x80x128xi32, #tpu.memory_space<hbm>> -> memref<1x80x128xi32, #tpu.memory_space<hbm>>
      %dma_wait3A_60 = tpu.memref_squeeze %dma_wait3A_59 : memref<1x80x128xi32, #tpu.memory_space<hbm>> -> memref<80x128xi32, #tpu.memory_space<hbm>>
      tpu.wait_dma2 semaphore(%run_scoped3A : memref<!tpu.dma_semaphore, #tpu.memory_space<semaphore_mem>>) src(%dma_wait3A_60 : memref<80x128xi32, #tpu.memory_space<hbm>>) dst(%arg7 : memref<80x128xi32, #tpu.memory_space<vmem>>)
      tpu.yield
    }) : () -> ()
    %scan3A_19 = arith.constant 0 : i32
    %scan3A_20 = arith.constant 0 : i32
    %scan3A_21 = arith.constant 80 : i32
    %scan3A_22 = arith.addi %scan3A_20, %scan3A_21 : i32
    %scan3A_23 = arith.constant 1 : i32
    %scan3A_24 = scf.for %scan3A_47 = %scan3A_20 to %scan3A_22 step %scan3A_23 iter_args(%scan3A_48 = %scan3A_19) -> (i32)  : i32 {
      %dma_start3A = arith.constant 0 : i32
      %dma_start3A_49 = tpu.memref_slice %arg6[%scan3A_47, %dma_start3A] : memref<80x128xi32, #tpu.memory_space<vmem>> -> memref<1x128xi32, #tpu.memory_space<vmem>>
      %dma_start3A_50 = tpu.memref_squeeze %dma_start3A_49 : memref<1x128xi32, #tpu.memory_space<vmem>> -> memref<128xi32, #tpu.memory_space<vmem>>
      %dma_start3A_51 = arith.constant 0 : i32
      %dma_start3A_52 = arith.constant 0 : i32
      %dma_start3A_53 = tpu.memref_slice %arg2[%dma_start3A_51, %dma_start3A_52] : memref<10112x128xf32, #tpu.memory_space<hbm>> -> memref<10112x128xf32, #tpu.memory_space<hbm>>
      tpu.enqueue_indirect_dma source(%dma_start3A_53 : memref<10112x128xf32, #tpu.memory_space<hbm>>) target(%arg8 : memref<128x128xf32, #tpu.memory_space<vmem>>) offsets(%dma_start3A_50 : memref<128xi32, #tpu.memory_space<vmem>>) semaphore(%arg10 : memref<!tpu.dma_semaphore, #tpu.memory_space<semaphore_mem>>)
      %dma_wait3A = arith.constant 0 : i32
      %dma_wait3A_54 = tpu.memref_slice %arg6[%scan3A_47, %dma_wait3A] : memref<80x128xi32, #tpu.memory_space<vmem>> -> memref<1x128xi32, #tpu.memory_space<vmem>>
      %dma_wait3A_55 = tpu.memref_squeeze %dma_wait3A_54 : memref<1x128xi32, #tpu.memory_space<vmem>> -> memref<128xi32, #tpu.memory_space<vmem>>
      %dma_wait3A_56 = arith.constant 0 : i32
      %dma_wait3A_57 = arith.constant 0 : i32
      %dma_wait3A_58 = tpu.memref_slice %arg2[%dma_wait3A_56, %dma_wait3A_57] : memref<10112x128xf32, #tpu.memory_space<hbm>> -> memref<10112x128xf32, #tpu.memory_space<hbm>>
      tpu.wait_indirect_dma semaphore(%arg10 : memref<!tpu.dma_semaphore, #tpu.memory_space<semaphore_mem>>) src(%dma_wait3A_58 : memref<10112x128xf32, #tpu.memory_space<hbm>>) dst(%arg8 : memref<128x128xf32, #tpu.memory_space<vmem>>)
      "tpu.region"() ({
        %run_scoped3A = tpu.sem_alloc : memref<!tpu.dma_semaphore, #tpu.memory_space<semaphore_mem>>
        %dma_start3A_60 = arith.constant 0 : i32
        %dma_start3A_61 = tpu.memref_slice %arg7[%scan3A_47, %dma_start3A_60] : memref<80x128xi32, #tpu.memory_space<vmem>> -> memref<1x128xi32, #tpu.memory_space<vmem>>
        %dma_start3A_62 = tpu.memref_squeeze %dma_start3A_61 : memref<1x128xi32, #tpu.memory_space<vmem>> -> memref<128xi32, #tpu.memory_space<vmem>>
        %dma_start3A_63 = arith.constant 0 : i32
        %dma_start3A_64 = arith.constant 0 : i32
        %dma_start3A_65 = tpu.memref_slice %arg9[%dma_start3A_63, %dma_start3A_64] : memref<10112x128xf32, #tpu.memory_space<vmem_shared>> -> memref<10112x128xf32, #tpu.memory_space<vmem_shared>>
        tpu.enqueue_indirect_dma source(%arg8 : memref<128x128xf32, #tpu.memory_space<vmem>>) target(%dma_start3A_65 : memref<10112x128xf32, #tpu.memory_space<vmem_shared>>) offsets(%dma_start3A_62 : memref<128xi32, #tpu.memory_space<vmem>>) semaphore(%run_scoped3A : memref<!tpu.dma_semaphore, #tpu.memory_space<semaphore_mem>>) {add = true}
        %dma_wait3A_66 = arith.constant 0 : i32
        %dma_wait3A_67 = tpu.memref_slice %arg7[%scan3A_47, %dma_wait3A_66] : memref<80x128xi32, #tpu.memory_space<vmem>> -> memref<1x128xi32, #tpu.memory_space<vmem>>
        %dma_wait3A_68 = tpu.memref_squeeze %dma_wait3A_67 : memref<1x128xi32, #tpu.memory_space<vmem>> -> memref<128xi32, #tpu.memory_space<vmem>>
        %dma_wait3A_69 = arith.constant 0 : i32
        %dma_wait3A_70 = arith.constant 0 : i32
        %dma_wait3A_71 = tpu.memref_slice %arg9[%dma_wait3A_69, %dma_wait3A_70] : memref<10112x128xf32, #tpu.memory_space<vmem_shared>> -> memref<10112x128xf32, #tpu.memory_space<vmem_shared>>
        tpu.wait_indirect_dma semaphore(%run_scoped3A : memref<!tpu.dma_semaphore, #tpu.memory_space<semaphore_mem>>) src(%arg8 : memref<128x128xf32, #tpu.memory_space<vmem>>) dst(%dma_wait3A_71 : memref<10112x128xf32, #tpu.memory_space<vmem_shared>>)
        tpu.yield
      }) : () -> ()
      %scan3A_59 = arith.constant 0 : i32
      scf.yield %scan3A_59 : i32
    }
    %scan3A_25 = arith.constant 80 : i32
    %barrier3A_26 = arith.constant 0 : index
    tpu.barrier barrier_id(%barrier3A_26)
    %add3A_27 = arith.constant 0 : i32
    %add3A_28 = arith.addi %mul3A_8, %add3A_27 : i32
    %add3A_29 = arith.constant 0 : i32
    %add3A_30 = arith.addi %mul3A_8, %add3A_29 : i32
    "tpu.region"() ({
      %run_scoped3A = tpu.sem_alloc : memref<!tpu.dma_semaphore, #tpu.memory_space<semaphore_mem>>
      %dma_start3A = arith.constant 0 : i32
      %dma_start3A_47 = tpu.memref_slice %arg5[%arg0, %add3A_30, %dma_start3A] : memref<2x10112x128xf32, #tpu.memory_space<hbm>> -> memref<1x128x128xf32, #tpu.memory_space<hbm>>
      %dma_start3A_48 = tpu.memref_squeeze %dma_start3A_47 : memref<1x128x128xf32, #tpu.memory_space<hbm>> -> memref<128x128xf32, #tpu.memory_space<hbm>>
      %dma_start3A_49 = arith.constant 0 : i32
      %dma_start3A_50 = tpu.memref_slice %arg9[%add3A_28, %dma_start3A_49] : memref<10112x128xf32, #tpu.memory_space<vmem_shared>> -> memref<128x128xf32, #tpu.memory_space<vmem_shared>>
      tpu.enqueue_dma source(%dma_start3A_50 : memref<128x128xf32, #tpu.memory_space<vmem_shared>>) target(%dma_start3A_48 : memref<128x128xf32, #tpu.memory_space<hbm>>) target_semaphore(%run_scoped3A : memref<!tpu.dma_semaphore, #tpu.memory_space<semaphore_mem>>)
      %dma_wait3A = arith.constant 0 : i32
      %dma_wait3A_51 = tpu.memref_slice %arg5[%arg0, %add3A_30, %dma_wait3A] : memref<2x10112x128xf32, #tpu.memory_space<hbm>> -> memref<1x128x128xf32, #tpu.memory_space<hbm>>
      %dma_wait3A_52 = tpu.memref_squeeze %dma_wait3A_51 : memref<1x128x128xf32, #tpu.memory_space<hbm>> -> memref<128x128xf32, #tpu.memory_space<hbm>>
      %dma_wait3A_53 = arith.constant 0 : i32
      %dma_wait3A_54 = tpu.memref_slice %arg9[%add3A_28, %dma_wait3A_53] : memref<10112x128xf32, #tpu.memory_space<vmem_shared>> -> memref<128x128xf32, #tpu.memory_space<vmem_shared>>
      tpu.wait_dma2 semaphore(%run_scoped3A : memref<!tpu.dma_semaphore, #tpu.memory_space<semaphore_mem>>) src(%dma_wait3A_54 : memref<128x128xf32, #tpu.memory_space<vmem_shared>>) dst(%dma_wait3A_52 : memref<128x128xf32, #tpu.memory_space<hbm>>)
      tpu.yield
    }) : () -> ()
    %add3A_31 = arith.constant 128 : i32
    %add3A_32 = arith.addi %mul3A_8, %add3A_31 : i32
    %add3A_33 = arith.constant 128 : i32
    %add3A_34 = arith.addi %mul3A_8, %add3A_33 : i32
    "tpu.region"() ({
      %run_scoped3A = tpu.sem_alloc : memref<!tpu.dma_semaphore, #tpu.memory_space<semaphore_mem>>
      %dma_start3A = arith.constant 0 : i32
      %dma_start3A_47 = tpu.memref_slice %arg5[%arg0, %add3A_34, %dma_start3A] : memref<2x10112x128xf32, #tpu.memory_space<hbm>> -> memref<1x128x128xf32, #tpu.memory_space<hbm>>
      %dma_start3A_48 = tpu.memref_squeeze %dma_start3A_47 : memref<1x128x128xf32, #tpu.memory_space<hbm>> -> memref<128x128xf32, #tpu.memory_space<hbm>>
      %dma_start3A_49 = arith.constant 0 : i32
      %dma_start3A_50 = tpu.memref_slice %arg9[%add3A_32, %dma_start3A_49] : memref<10112x128xf32, #tpu.memory_space<vmem_shared>> -> memref<128x128xf32, #tpu.memory_space<vmem_shared>>
      tpu.enqueue_dma source(%dma_start3A_50 : memref<128x128xf32, #tpu.memory_space<vmem_shared>>) target(%dma_start3A_48 : memref<128x128xf32, #tpu.memory_space<hbm>>) target_semaphore(%run_scoped3A : memref<!tpu.dma_semaphore, #tpu.memory_space<semaphore_mem>>)
      %dma_wait3A = arith.constant 0 : i32
      %dma_wait3A_51 = tpu.memref_slice %arg5[%arg0, %add3A_34, %dma_wait3A] : memref<2x10112x128xf32, #tpu.memory_space<hbm>> -> memref<1x128x128xf32, #tpu.memory_space<hbm>>
      %dma_wait3A_52 = tpu.memref_squeeze %dma_wait3A_51 : memref<1x128x128xf32, #tpu.memory_space<hbm>> -> memref<128x128xf32, #tpu.memory_space<hbm>>
      %dma_wait3A_53 = arith.constant 0 : i32
      %dma_wait3A_54 = tpu.memref_slice %arg9[%add3A_32, %dma_wait3A_53] : memref<10112x128xf32, #tpu.memory_space<vmem_shared>> -> memref<128x128xf32, #tpu.memory_space<vmem_shared>>
      tpu.wait_dma2 semaphore(%run_scoped3A : memref<!tpu.dma_semaphore, #tpu.memory_space<semaphore_mem>>) src(%dma_wait3A_54 : memref<128x128xf32, #tpu.memory_space<vmem_shared>>) dst(%dma_wait3A_52 : memref<128x128xf32, #tpu.memory_space<hbm>>)
      tpu.yield
    }) : () -> ()
    %add3A_35 = arith.constant 256 : i32
    %add3A_36 = arith.addi %mul3A_8, %add3A_35 : i32
    %add3A_37 = arith.constant 256 : i32
    %add3A_38 = arith.addi %mul3A_8, %add3A_37 : i32
    "tpu.region"() ({
      %run_scoped3A = tpu.sem_alloc : memref<!tpu.dma_semaphore, #tpu.memory_space<semaphore_mem>>
      %dma_start3A = arith.constant 0 : i32
      %dma_start3A_47 = tpu.memref_slice %arg5[%arg0, %add3A_38, %dma_start3A] : memref<2x10112x128xf32, #tpu.memory_space<hbm>> -> memref<1x128x128xf32, #tpu.memory_space<hbm>>
      %dma_start3A_48 = tpu.memref_squeeze %dma_start3A_47 : memref<1x128x128xf32, #tpu.memory_space<hbm>> -> memref<128x128xf32, #tpu.memory_space<hbm>>
      %dma_start3A_49 = arith.constant 0 : i32
      %dma_start3A_50 = tpu.memref_slice %arg9[%add3A_36, %dma_start3A_49] : memref<10112x128xf32, #tpu.memory_space<vmem_shared>> -> memref<128x128xf32, #tpu.memory_space<vmem_shared>>
      tpu.enqueue_dma source(%dma_start3A_50 : memref<128x128xf32, #tpu.memory_space<vmem_shared>>) target(%dma_start3A_48 : memref<128x128xf32, #tpu.memory_space<hbm>>) target_semaphore(%run_scoped3A : memref<!tpu.dma_semaphore, #tpu.memory_space<semaphore_mem>>)
      %dma_wait3A = arith.constant 0 : i32
      %dma_wait3A_51 = tpu.memref_slice %arg5[%arg0, %add3A_38, %dma_wait3A] : memref<2x10112x128xf32, #tpu.memory_space<hbm>> -> memref<1x128x128xf32, #tpu.memory_space<hbm>>
      %dma_wait3A_52 = tpu.memref_squeeze %dma_wait3A_51 : memref<1x128x128xf32, #tpu.memory_space<hbm>> -> memref<128x128xf32, #tpu.memory_space<hbm>>
      %dma_wait3A_53 = arith.constant 0 : i32
      %dma_wait3A_54 = tpu.memref_slice %arg9[%add3A_36, %dma_wait3A_53] : memref<10112x128xf32, #tpu.memory_space<vmem_shared>> -> memref<128x128xf32, #tpu.memory_space<vmem_shared>>
      tpu.wait_dma2 semaphore(%run_scoped3A : memref<!tpu.dma_semaphore, #tpu.memory_space<semaphore_mem>>) src(%dma_wait3A_54 : memref<128x128xf32, #tpu.memory_space<vmem_shared>>) dst(%dma_wait3A_52 : memref<128x128xf32, #tpu.memory_space<hbm>>)
      tpu.yield
    }) : () -> ()
    %add3A_39 = arith.constant 384 : i32
    %add3A_40 = arith.addi %mul3A_8, %add3A_39 : i32
    %add3A_41 = arith.constant 384 : i32
    %add3A_42 = arith.addi %mul3A_8, %add3A_41 : i32
    "tpu.region"() ({
      %run_scoped3A = tpu.sem_alloc : memref<!tpu.dma_semaphore, #tpu.memory_space<semaphore_mem>>
      %dma_start3A = arith.constant 0 : i32
      %dma_start3A_47 = tpu.memref_slice %arg5[%arg0, %add3A_42, %dma_start3A] : memref<2x10112x128xf32, #tpu.memory_space<hbm>> -> memref<1x128x128xf32, #tpu.memory_space<hbm>>
      %dma_start3A_48 = tpu.memref_squeeze %dma_start3A_47 : memref<1x128x128xf32, #tpu.memory_space<hbm>> -> memref<128x128xf32, #tpu.memory_space<hbm>>
      %dma_start3A_49 = arith.constant 0 : i32
      %dma_start3A_50 = tpu.memref_slice %arg9[%add3A_40, %dma_start3A_49] : memref<10112x128xf32, #tpu.memory_space<vmem_shared>> -> memref<128x128xf32, #tpu.memory_space<vmem_shared>>
      tpu.enqueue_dma source(%dma_start3A_50 : memref<128x128xf32, #tpu.memory_space<vmem_shared>>) target(%dma_start3A_48 : memref<128x128xf32, #tpu.memory_space<hbm>>) target_semaphore(%run_scoped3A : memref<!tpu.dma_semaphore, #tpu.memory_space<semaphore_mem>>)
      %dma_wait3A = arith.constant 0 : i32
      %dma_wait3A_51 = tpu.memref_slice %arg5[%arg0, %add3A_42, %dma_wait3A] : memref<2x10112x128xf32, #tpu.memory_space<hbm>> -> memref<1x128x128xf32, #tpu.memory_space<hbm>>
      %dma_wait3A_52 = tpu.memref_squeeze %dma_wait3A_51 : memref<1x128x128xf32, #tpu.memory_space<hbm>> -> memref<128x128xf32, #tpu.memory_space<hbm>>
      %dma_wait3A_53 = arith.constant 0 : i32
      %dma_wait3A_54 = tpu.memref_slice %arg9[%add3A_40, %dma_wait3A_53] : memref<10112x128xf32, #tpu.memory_space<vmem_shared>> -> memref<128x128xf32, #tpu.memory_space<vmem_shared>>
      tpu.wait_dma2 semaphore(%run_scoped3A : memref<!tpu.dma_semaphore, #tpu.memory_space<semaphore_mem>>) src(%dma_wait3A_54 : memref<128x128xf32, #tpu.memory_space<vmem_shared>>) dst(%dma_wait3A_52 : memref<128x128xf32, #tpu.memory_space<hbm>>)
      tpu.yield
    }) : () -> ()
    %add3A_43 = arith.constant 512 : i32
    %add3A_44 = arith.addi %mul3A_8, %add3A_43 : i32
    %add3A_45 = arith.constant 512 : i32
    %add3A_46 = arith.addi %mul3A_8, %add3A_45 : i32
    "tpu.region"() ({
      %run_scoped3A = tpu.sem_alloc : memref<!tpu.dma_semaphore, #tpu.memory_space<semaphore_mem>>
      %dma_start3A = arith.constant 0 : i32
      %dma_start3A_47 = tpu.memref_slice %arg5[%arg0, %add3A_46, %dma_start3A] : memref<2x10112x128xf32, #tpu.memory_space<hbm>> -> memref<1x120x128xf32, #tpu.memory_space<hbm>>
      %dma_start3A_48 = tpu.memref_squeeze %dma_start3A_47 : memref<1x120x128xf32, #tpu.memory_space<hbm>> -> memref<120x128xf32, #tpu.memory_space<hbm>>
      %dma_start3A_49 = arith.constant 0 : i32
      %dma_start3A_50 = tpu.memref_slice %arg9[%add3A_44, %dma_start3A_49] : memref<10112x128xf32, #tpu.memory_space<vmem_shared>> -> memref<120x128xf32, #tpu.memory_space<vmem_shared>>
      tpu.enqueue_dma source(%dma_start3A_50 : memref<120x128xf32, #tpu.memory_space<vmem_shared>>) target(%dma_start3A_48 : memref<120x128xf32, #tpu.memory_space<hbm>>) target_semaphore(%run_scoped3A : memref<!tpu.dma_semaphore, #tpu.memory_space<semaphore_mem>>)
      %dma_wait3A = arith.constant 0 : i32
      %dma_wait3A_51 = tpu.memref_slice %arg5[%arg0, %add3A_46, %dma_wait3A] : memref<2x10112x128xf32, #tpu.memory_space<hbm>> -> memref<1x120x128xf32, #tpu.memory_space<hbm>>
      %dma_wait3A_52 = tpu.memref_squeeze %dma_wait3A_51 : memref<1x120x128xf32, #tpu.memory_space<hbm>> -> memref<120x128xf32, #tpu.memory_space<hbm>>
      %dma_wait3A_53 = arith.constant 0 : i32
      %dma_wait3A_54 = tpu.memref_slice %arg9[%add3A_44, %dma_wait3A_53] : memref<10112x128xf32, #tpu.memory_space<vmem_shared>> -> memref<120x128xf32, #tpu.memory_space<vmem_shared>>
      tpu.wait_dma2 semaphore(%run_scoped3A : memref<!tpu.dma_semaphore, #tpu.memory_space<semaphore_mem>>) src(%dma_wait3A_54 : memref<120x128xf32, #tpu.memory_space<vmem_shared>>) dst(%dma_wait3A_52 : memref<120x128xf32, #tpu.memory_space<hbm>>)
      tpu.yield
    }) : () -> ()
    return
  }
}

module attributes {stable_mosaic.version = 14 : i64} {
  func.func @_tc_layer2(%arg0: memref<2x10112x128xf32, #tpu.memory_space<vmem>>, %arg1: memref<2x2x10112x16xf32, #tpu.memory_space<vmem>>, %arg2: memref<1x128xf32, #tpu.memory_space<vmem>>, %arg3: memref<128x128xf32, #tpu.memory_space<vmem>>, %arg4: memref<10112x128xf32, #tpu.memory_space<vmem>>) attributes {dimension_semantics = [], scalar_prefetch = 0 : i64, scratch_operands = 0 : i64, tpu.core_type = #tpu.core_type<tc>} {
    %get3A = arith.constant 0 : index
    %get3A_0 = arith.constant 0 : index
    %get3A_1 = arith.constant 0 : index
    %get3A_2 = arith.constant 0 : index
    %get3A_3 = vector.load %arg1[%get3A, %get3A_0, %get3A_1, %get3A_2] : memref<2x2x10112x16xf32, #tpu.memory_space<vmem>>, vector<2x2x10112x16xf32>
    %slice3A = vector.extract_strided_slice %get3A_3 {offsets = [0, 0, 0, 0], sizes = [1, 1, 10112, 16], strides = [1, 1, 1, 1]} : vector<2x2x10112x16xf32> to vector<1x1x10112x16xf32>
    %squeeze3A = vector.shape_cast %slice3A : vector<1x1x10112x16xf32> to vector<10112x16xf32>
    %slice3A_4 = vector.extract_strided_slice %get3A_3 {offsets = [1, 0, 0, 0], sizes = [1, 1, 10112, 16], strides = [1, 1, 1, 1]} : vector<2x2x10112x16xf32> to vector<1x1x10112x16xf32>
    %squeeze3A_5 = vector.shape_cast %slice3A_4 : vector<1x1x10112x16xf32> to vector<10112x16xf32>
    %add3A = arith.addf %squeeze3A, %squeeze3A_5 : vector<10112x16xf32>
    %slice3A_6 = vector.extract_strided_slice %add3A {offsets = [0, 0], sizes = [10112, 1], strides = [1, 1]} : vector<10112x16xf32> to vector<10112x1xf32>
    %max3A = arith.constant 1.000000e+00 : f32
    %max3A_7 = vector.broadcast %max3A : f32 to vector<10112x1xf32>
    %max3A_8 = arith.maximumf %slice3A_6, %max3A_7 : vector<10112x1xf32>
    %rsqrt3A = math.rsqrt %max3A_8 : vector<10112x1xf32>
    %slice3A_9 = vector.extract_strided_slice %get3A_3 {offsets = [0, 1, 0, 0], sizes = [1, 1, 10112, 16], strides = [1, 1, 1, 1]} : vector<2x2x10112x16xf32> to vector<1x1x10112x16xf32>
    %squeeze3A_10 = vector.shape_cast %slice3A_9 : vector<1x1x10112x16xf32> to vector<10112x16xf32>
    %slice3A_11 = vector.extract_strided_slice %get3A_3 {offsets = [1, 1, 0, 0], sizes = [1, 1, 10112, 16], strides = [1, 1, 1, 1]} : vector<2x2x10112x16xf32> to vector<1x1x10112x16xf32>
    %squeeze3A_12 = vector.shape_cast %slice3A_11 : vector<1x1x10112x16xf32> to vector<10112x16xf32>
    %add3A_13 = arith.addf %squeeze3A_10, %squeeze3A_12 : vector<10112x16xf32>
    %slice3A_14 = vector.extract_strided_slice %add3A_13 {offsets = [0, 0], sizes = [10112, 1], strides = [1, 1]} : vector<10112x16xf32> to vector<10112x1xf32>
    %max3A_15 = arith.constant 1.000000e+00 : f32
    %max3A_16 = vector.broadcast %max3A_15 : f32 to vector<10112x1xf32>
    %max3A_17 = arith.maximumf %slice3A_14, %max3A_16 : vector<10112x1xf32>
    %rsqrt3A_18 = math.rsqrt %max3A_17 : vector<10112x1xf32>
    %get3A_19 = arith.constant 0 : index
    %get3A_20 = arith.constant 0 : index
    %get3A_21 = arith.constant 0 : index
    %get3A_22 = vector.load %arg0[%get3A_19, %get3A_20, %get3A_21] : memref<2x10112x128xf32, #tpu.memory_space<vmem>>, vector<1x10112x128xf32>
    %get3A_23 = vector.shape_cast %get3A_22 : vector<1x10112x128xf32> to vector<10112x128xf32>
    %get3A_24 = arith.constant 1 : index
    %get3A_25 = arith.constant 0 : index
    %get3A_26 = arith.constant 0 : index
    %get3A_27 = vector.load %arg0[%get3A_24, %get3A_25, %get3A_26] : memref<2x10112x128xf32, #tpu.memory_space<vmem>>, vector<1x10112x128xf32>
    %get3A_28 = vector.shape_cast %get3A_27 : vector<1x10112x128xf32> to vector<10112x128xf32>
    %add3A_29 = arith.addf %get3A_23, %get3A_28 : vector<10112x128xf32>
    %mul3A = vector.broadcast %rsqrt3A_18 : vector<10112x1xf32> to vector<10112x128xf32>
    %mul3A_30 = arith.mulf %add3A_29, %mul3A : vector<10112x128xf32>
    %get3A_31 = arith.constant 0 : index
    %get3A_32 = arith.constant 0 : index
    %get3A_33 = vector.load %arg2[%get3A_31, %get3A_32] : memref<1x128xf32, #tpu.memory_space<vmem>>, vector<1x128xf32>
    %add3A_34 = vector.broadcast %get3A_33 : vector<1x128xf32> to vector<10112x128xf32>
    %add3A_35 = arith.addf %mul3A_30, %add3A_34 : vector<10112x128xf32>
    %max3A_36 = arith.constant 0.000000e+00 : f32
    %max3A_37 = vector.broadcast %max3A_36 : f32 to vector<10112x128xf32>
    %max3A_38 = arith.maximumf %add3A_35, %max3A_37 : vector<10112x128xf32>
    %get3A_39 = arith.constant 0 : index
    %get3A_40 = arith.constant 0 : index
    %get3A_41 = vector.load %arg3[%get3A_39, %get3A_40] : memref<128x128xf32, #tpu.memory_space<vmem>>, vector<128x128xf32>
    %dot_general3A = arith.constant dense<0.000000e+00> : vector<10112x128xf32>
    %dot_general3A_42 = tpu.matmul %max3A_38, %get3A_41, %dot_general3A {dimension_numbers = #tpu.dot_dimension_numbers<[1], [0], [0], [1], [0, 0, 1, 1], [], []>, transpose_lhs_hint = false} : vector<10112x128xf32>, vector<128x128xf32>, vector<10112x128xf32> -> vector<10112x128xf32>
    %mul3A_43 = vector.broadcast %rsqrt3A : vector<10112x1xf32> to vector<10112x128xf32>
    %mul3A_44 = arith.mulf %dot_general3A_42, %mul3A_43 : vector<10112x128xf32>
    %swap3A = arith.constant 0 : index
    %swap3A_45 = arith.constant 0 : index
    %swap3A_46 = vector.load %arg4[%swap3A, %swap3A_45] : memref<10112x128xf32, #tpu.memory_space<vmem>>, vector<10112x128xf32>
    tpu.vector_store %arg4[%swap3A, %swap3A_45], %mul3A_44 {strides = array<i32>} : memref<10112x128xf32, #tpu.memory_space<vmem>>, vector<10112x128xf32>,
    return
  }
}

module attributes {stable_mosaic.version = 14 : i64} {
  func.func @_tc_layer1(%arg0: memref<10112x128xf32, #tpu.memory_space<vmem>>, %arg1: memref<128x128xf32, #tpu.memory_space<vmem>>, %arg2: memref<2x2x10112x16xf32, #tpu.memory_space<vmem>>, %arg3: memref<10112x128xf32, #tpu.memory_space<vmem>>) attributes {dimension_semantics = [], scalar_prefetch = 0 : i64, scratch_operands = 0 : i64, tpu.core_type = #tpu.core_type<tc>} {
    %get3A = arith.constant 0 : index
    %get3A_0 = arith.constant 0 : index
    %get3A_1 = arith.constant 0 : index
    %get3A_2 = arith.constant 0 : index
    %get3A_3 = vector.load %arg2[%get3A, %get3A_0, %get3A_1, %get3A_2] : memref<2x2x10112x16xf32, #tpu.memory_space<vmem>>, vector<2x2x10112x16xf32>
    %slice3A = vector.extract_strided_slice %get3A_3 {offsets = [0, 0, 0, 0], sizes = [1, 1, 10112, 16], strides = [1, 1, 1, 1]} : vector<2x2x10112x16xf32> to vector<1x1x10112x16xf32>
    %squeeze3A = vector.shape_cast %slice3A : vector<1x1x10112x16xf32> to vector<10112x16xf32>
    %slice3A_4 = vector.extract_strided_slice %get3A_3 {offsets = [1, 0, 0, 0], sizes = [1, 1, 10112, 16], strides = [1, 1, 1, 1]} : vector<2x2x10112x16xf32> to vector<1x1x10112x16xf32>
    %squeeze3A_5 = vector.shape_cast %slice3A_4 : vector<1x1x10112x16xf32> to vector<10112x16xf32>
    %add3A = arith.addf %squeeze3A, %squeeze3A_5 : vector<10112x16xf32>
    %slice3A_6 = vector.extract_strided_slice %add3A {offsets = [0, 0], sizes = [10112, 1], strides = [1, 1]} : vector<10112x16xf32> to vector<10112x1xf32>
    %max3A = arith.constant 1.000000e+00 : f32
    %max3A_7 = vector.broadcast %max3A : f32 to vector<10112x1xf32>
    %max3A_8 = arith.maximumf %slice3A_6, %max3A_7 : vector<10112x1xf32>
    %rsqrt3A = math.rsqrt %max3A_8 : vector<10112x1xf32>
    %get3A_9 = arith.constant 0 : index
    %get3A_10 = arith.constant 0 : index
    %get3A_11 = vector.load %arg0[%get3A_9, %get3A_10] : memref<10112x128xf32, #tpu.memory_space<vmem>>, vector<10112x128xf32>
    %get3A_12 = arith.constant 0 : index
    %get3A_13 = arith.constant 0 : index
    %get3A_14 = vector.load %arg1[%get3A_12, %get3A_13] : memref<128x128xf32, #tpu.memory_space<vmem>>, vector<128x128xf32>
    %dot_general3A = arith.constant dense<0.000000e+00> : vector<10112x128xf32>
    %dot_general3A_15 = tpu.matmul %get3A_11, %get3A_14, %dot_general3A {dimension_numbers = #tpu.dot_dimension_numbers<[1], [0], [0], [1], [0, 0, 1, 1], [], []>, transpose_lhs_hint = false} : vector<10112x128xf32>, vector<128x128xf32>, vector<10112x128xf32> -> vector<10112x128xf32>
    %mul3A = vector.broadcast %rsqrt3A : vector<10112x1xf32> to vector<10112x128xf32>
    %mul3A_16 = arith.mulf %dot_general3A_15, %mul3A : vector<10112x128xf32>
    %swap3A = arith.constant 0 : index
    %swap3A_17 = arith.constant 0 : index
    %swap3A_18 = vector.load %arg3[%swap3A, %swap3A_17] : memref<10112x128xf32, #tpu.memory_space<vmem>>, vector<10112x128xf32>
    tpu.vector_store %arg3[%swap3A, %swap3A_17], %mul3A_16 {strides = array<i32>} : memref<10112x128xf32, #tpu.memory_space<vmem>>, vector<10112x128xf32>,
    return
  }
}

module attributes {stable_mosaic.version = 14 : i64} {
  func.func @_tc_head(%arg0: memref<2x10112x128xf32, #tpu.memory_space<vmem>>, %arg1: memref<2x2x10112x16xf32, #tpu.memory_space<vmem>>, %arg2: memref<1x128xf32, #tpu.memory_space<vmem>>, %arg3: memref<128x16xf32, #tpu.memory_space<vmem>>, %arg4: memref<1x16xf32, #tpu.memory_space<vmem>>, %arg5: memref<1x16xf32, #tpu.memory_space<vmem>>) attributes {dimension_semantics = [], scalar_prefetch = 0 : i64, scratch_operands = 0 : i64, tpu.core_type = #tpu.core_type<tc>} {
    %get3A = arith.constant 0 : index
    %get3A_0 = arith.constant 0 : index
    %get3A_1 = arith.constant 0 : index
    %get3A_2 = arith.constant 0 : index
    %get3A_3 = vector.load %arg1[%get3A, %get3A_0, %get3A_1, %get3A_2] : memref<2x2x10112x16xf32, #tpu.memory_space<vmem>>, vector<2x2x10112x16xf32>
    %slice3A = vector.extract_strided_slice %get3A_3 {offsets = [0, 1, 0, 0], sizes = [1, 1, 10112, 16], strides = [1, 1, 1, 1]} : vector<2x2x10112x16xf32> to vector<1x1x10112x16xf32>
    %squeeze3A = vector.shape_cast %slice3A : vector<1x1x10112x16xf32> to vector<10112x16xf32>
    %slice3A_4 = vector.extract_strided_slice %get3A_3 {offsets = [1, 1, 0, 0], sizes = [1, 1, 10112, 16], strides = [1, 1, 1, 1]} : vector<2x2x10112x16xf32> to vector<1x1x10112x16xf32>
    %squeeze3A_5 = vector.shape_cast %slice3A_4 : vector<1x1x10112x16xf32> to vector<10112x16xf32>
    %add3A = arith.addf %squeeze3A, %squeeze3A_5 : vector<10112x16xf32>
    %slice3A_6 = vector.extract_strided_slice %add3A {offsets = [0, 0], sizes = [10112, 1], strides = [1, 1]} : vector<10112x16xf32> to vector<10112x1xf32>
    %max3A = arith.constant 1.000000e+00 : f32
    %max3A_7 = vector.broadcast %max3A : f32 to vector<10112x1xf32>
    %max3A_8 = arith.maximumf %slice3A_6, %max3A_7 : vector<10112x1xf32>
    %rsqrt3A = math.rsqrt %max3A_8 : vector<10112x1xf32>
    %get3A_9 = arith.constant 0 : index
    %get3A_10 = arith.constant 0 : index
    %get3A_11 = arith.constant 0 : index
    %get3A_12 = vector.load %arg0[%get3A_9, %get3A_10, %get3A_11] : memref<2x10112x128xf32, #tpu.memory_space<vmem>>, vector<1x10112x128xf32>
    %get3A_13 = vector.shape_cast %get3A_12 : vector<1x10112x128xf32> to vector<10112x128xf32>
    %get3A_14 = arith.constant 1 : index
    %get3A_15 = arith.constant 0 : index
    %get3A_16 = arith.constant 0 : index
    %get3A_17 = vector.load %arg0[%get3A_14, %get3A_15, %get3A_16] : memref<2x10112x128xf32, #tpu.memory_space<vmem>>, vector<1x10112x128xf32>
    %get3A_18 = vector.shape_cast %get3A_17 : vector<1x10112x128xf32> to vector<10112x128xf32>
    %add3A_19 = arith.addf %get3A_13, %get3A_18 : vector<10112x128xf32>
    %mul3A = vector.broadcast %rsqrt3A : vector<10112x1xf32> to vector<10112x128xf32>
    %mul3A_20 = arith.mulf %add3A_19, %mul3A : vector<10112x128xf32>
    %get3A_21 = arith.constant 0 : index
    %get3A_22 = arith.constant 0 : index
    %get3A_23 = vector.load %arg2[%get3A_21, %get3A_22] : memref<1x128xf32, #tpu.memory_space<vmem>>, vector<1x128xf32>
    %add3A_24 = vector.broadcast %get3A_23 : vector<1x128xf32> to vector<10112x128xf32>
    %add3A_25 = arith.addf %mul3A_20, %add3A_24 : vector<10112x128xf32>
    %max3A_26 = arith.constant 0.000000e+00 : f32
    %max3A_27 = vector.broadcast %max3A_26 : f32 to vector<10112x128xf32>
    %max3A_28 = arith.maximumf %add3A_25, %max3A_27 : vector<10112x128xf32>
    %slice3A_29 = vector.extract_strided_slice %max3A_28 {offsets = [0, 0], sizes = [10000, 128], strides = [1, 1]} : vector<10112x128xf32> to vector<10000x128xf32>
    %reduce_sum3A = arith.constant dense<0.000000e+00> : vector<128xf32>
    %reduce_sum3A_30 = vector.multi_reduction <add>, %slice3A_29, %reduce_sum3A [0] : vector<10000x128xf32> to vector<128xf32>
    %broadcast_in_dim3A = vector.shape_cast %reduce_sum3A_30 : vector<128xf32> to vector<1x128xf32>
    %mul3A_31 = arith.constant 9.99999974E-5 : f32
    %mul3A_32 = vector.broadcast %mul3A_31 : f32 to vector<1x128xf32>
    %mul3A_33 = arith.mulf %broadcast_in_dim3A, %mul3A_32 : vector<1x128xf32>
    %get3A_34 = arith.constant 0 : index
    %get3A_35 = arith.constant 0 : index
    %get3A_36 = vector.load %arg3[%get3A_34, %get3A_35] : memref<128x16xf32, #tpu.memory_space<vmem>>, vector<128x16xf32>
    %dot_general3A = arith.constant dense<0.000000e+00> : vector<1x16xf32>
    %dot_general3A_37 = tpu.matmul %mul3A_33, %get3A_36, %dot_general3A {dimension_numbers = #tpu.dot_dimension_numbers<[1], [0], [0], [1], [0, 0, 1, 1], [], []>, transpose_lhs_hint = false} : vector<1x128xf32>, vector<128x16xf32>, vector<1x16xf32> -> vector<1x16xf32>
    %get3A_38 = arith.constant 0 : index
    %get3A_39 = arith.constant 0 : index
    %get3A_40 = vector.load %arg4[%get3A_38, %get3A_39] : memref<1x16xf32, #tpu.memory_space<vmem>>, vector<1x16xf32>
    %add3A_41 = arith.addf %dot_general3A_37, %get3A_40 : vector<1x16xf32>
    %swap3A = arith.constant 0 : index
    %swap3A_42 = arith.constant 0 : index
    %swap3A_43 = vector.load %arg5[%swap3A, %swap3A_42] : memref<1x16xf32, #tpu.memory_space<vmem>>, vector<1x16xf32>
    tpu.vector_store %arg5[%swap3A, %swap3A_42], %add3A_41 {strides = array<i32>} : memref<1x16xf32, #tpu.memory_space<vmem>>, vector<1x16xf32>,
    return
  }
}

</mosaic_0001>

<sc_bundles>
// kernel: kernel.11.cloned.1.call-start
scs
__scs_entry_jumppad:
0x0: {  	(pc) =	sbr.rel $0x88, $3  }
0x1: {  	(tag) =	ssettag $0x0;
	lr =	simm.s32 $0x1  }
0x2: {  	[smem:$0x3F99] =	sst lr;
	_ =	strace $0xD0000000  }
0x3: {  	_ = 	snop  }
0x4: {  	_ = 	snop  }
0x5: {  	_ = 	snop  }
0x6: {  	_ = 	snop  }
0x7: {  	_ = 	snop  }
__scs_overlays_trampoline_lowered:
0x8: {  	[smem:$0x3FA8] =	sst s0  }
0x9: {  	[smem:$0x3FA9] =	sst s1  }
0xa: {  	[smem:$0x3FAA] =	sst s2  }
0xb: {  	[smem:$0x3FAB] =	sst s3  }
0xc: {  	[smem:$0x3FAC] =	sst s4  }
0xd: {  	[smem:$0x3FAD] =	sst s5  }
0xe: {  	[smem:$0x3FAE] =	sst s6  }
0xf: {  	[smem:$0x3FAF] =	sst s7  }
0x10: {  	[smem:$0x3FB0] =	sst s8  }
0x11: {  	[smem:$0x3FB1] =	sst s9;
	s0 =	simm.s32 @!p0 $0x0  }
0x12: {  	s1 =	sld [smem:$0x3F97];
	s0 =	simm.s32 @p0 $0x1  }
0x13: {  	[smem:$0x3FB2] =	sst s0;
	s0 =	simm.s32 @!p1 $0x0  }
0x14: {  	s2 =	sld [smem:$0x3F96];
	s0 =	simm.s32 @p1 $0x1  }
0x15: {  	[smem:$0x3FB3] =	sst s0;
	s0 =	simm.s32 @!p2 $0x0  }
0x16: {  	s3 =	sld [smem:$0x3FDB];
	s0 =	simm.s32 @p2 $0x1  }
0x17: {  	s4 =	simm.s32 $0x1BF5;
	[smem:$0x3FB5] =	sst s0  }
0x18: {  	s0 =	sld [smem:$0x3F98];
	_ =	swait.ge [sflag:s4], $0x0  }
0x19: {  	s7 =	sld [smem:$0x3F99]  }
0x1a: {  	s8 =	sadd.s32 $0xFFFFE003, lr  }
0x1b: {  	s9 =	sadd.s32 $0xFFFFFEF7, lr;
	s5 =	simm.s32 $0xFFFFFFFF;
	p2 =	slt.u32 s8, $0xFFFFF086  }
0x1c: {  	p1 =	slt.u32 s9, $0xF7A;
	s5 =	simm.s32 @!p2 $0x0  }
0x1d: {  	s5 =	simm.s32 @p1 $0x1;
	p0 =	seq.s32 s7, s2  }
0x1e: {  	s7 =	smul.u32 @!p0 $0xF7A, s2;
	p2 =	seq.s32 @!p0 s5, $0x0  }
0x1f: {  	s9 =	smul.u32 $0xF7A, s1;
	s8 =	simm.s32 @!p0 $0x1BF5;
	p2 =	por !p2, p0  }
0x20: {  	[sflag:s8] =	ssyncset.s32 @!p0 $0xFFFFF086;
	s6 =	sadd.s32 @!p0 s3, s7;
	s7 =	simm.s32 @!p0 $0x108  }
0x21: {  	s3 =	sadd.s32 s3, s9;
	s6 =	sadd.s32 @!p0 $0x88, s6;
	s7 =	simm.s32 @p2 $0x1082  }
0x22: {  	[simem:s7], [sflag:s8] =	dma.local @!p0 [hbm:s6], $0xF7A  }
0x23: {  	s9 =	sor.u32 $0xD0000000, s2;
	s6 =	simm.s32 $0x108;
	_ =	swait.ge @!p0 [sflag:s8], $0x0  }
0x24: {  	s3 =	sadd.s32 $0x88, s3;
	s6 =	simm.s32 @!p1 $0x1082;
	[sflag:s4] =	ssyncset.s32 $0xFFFFF086  }
0x25: {  	[simem:s6], [sflag:s4] =	dma.local [hbm:s3], $0xF7A  }
0x26: {  	[smem:$0x3F99] =	sst s1;
	(tag) =	ssettag s2;
	_ =	strace s9  }
0x27: {  	s1 =	sld [smem:$0x3FA9]  }
0x28: {  	s2 =	sld [smem:$0x3FAA]  }
0x29: {  	s4 =	sld [smem:$0x3FAC]  }
0x2a: {  	p0 =	seq.s32 s5, $0x0;
	s5 =	sld [smem:$0x3FAD]  }
0x2b: {  	s6 =	sld [smem:$0x3FAE]  }
0x2c: {  	s7 =	sld [smem:$0x3FAF]  }
0x2d: {  	s3 =	simm.s32 $0x108;
	s8 =	sld [smem:$0x3FB0]  }
0x2e: {  	s3 =	simm.s32 @!p0 $0x1082;
	s9 =	sld [smem:$0x3FB1]  }
0x2f: {  	lr =	sadd.s32 s0, s3;
	s0 =	sld [smem:$0x3FA8]  }
0x30: {  	s3 =	sld [smem:$0x3FAB]  }
0x31: {  	[smem:$0x3FB4] =	sst s10  }
0x32: {  	s10 =	sld [smem:$0x3FB2];
	_ =	sdelay $0x3  }
0x33: {  	p0 =	seq.s32 s10, $0x1;
	s10 =	sld [smem:$0x3FB4];
	_ =	sdelay $0x3  }
0x34: {  	[smem:$0x3FB4] =	sst s10  }
0x35: {  	s10 =	sld [smem:$0x3FB3];
	_ =	sdelay $0x3  }
0x36: {  	p1 =	seq.s32 s10, $0x1;
	s10 =	sld [smem:$0x3FB4];
	_ =	sdelay $0x3  }
0x37: {  	[smem:$0x3FB4] =	sst s10  }
0x38: {  	s10 =	sld [smem:$0x3FB5]  }
0x39: {  	_ = 	snop;
	(pc) =	sbr.ind lr, $3  }
0x3a: {  	_ = 	snop  }
0x3b: {  	_ = 	snop  }
0x3c: {  	p2 =	seq.s32 s10, $0x1;
	s10 =	sld [smem:$0x3FB4]  }
0x3d: {  	_ =	shalt  }
0x3e: {  	_ =	shalt  }
0x3f: {  	_ =	shalt  }
0x40: {  	_ =	shalt  }
0x41: {  	_ =	shalt  }
0x42: {  	_ =	shalt  }
0x43: {  	_ =	shalt  }
0x44: {  	_ =	shalt  }
0x45: {  	_ =	shalt  }
0x46: {  	_ =	shalt  }
0x47: {  	_ =	shalt  }
0x48: {  	_ =	shalt  }
0x49: {  	_ =	shalt  }
0x4a: {  	_ =	shalt  }
0x4b: {  	_ =	shalt  }
0x4c: {  	_ =	shalt  }
0x4d: {  	_ =	shalt  }
0x4e: {  	_ =	shalt  }
0x4f: {  	_ =	shalt  }
0x50: {  	_ =	shalt  }
0x51: {  	_ =	shalt  }
0x52: {  	_ =	shalt  }
0x53: {  	_ =	shalt  }
0x54: {  	_ =	shalt  }
0x55: {  	_ =	shalt  }
0x56: {  	_ =	shalt  }
0x57: {  	_ =	shalt  }
0x58: {  	_ =	shalt  }
0x59: {  	_ =	shalt  }
0x5a: {  	_ =	shalt  }
0x5b: {  	_ =	shalt  }
0x5c: {  	_ =	shalt  }
0x5d: {  	_ =	shalt  }
0x5e: {  	_ =	shalt  }
0x5f: {  	_ =	shalt  }
0x60: {  	_ =	shalt  }
0x61: {  	_ =	shalt  }
0x62: {  	_ =	shalt  }
0x63: {  	_ =	shalt  }
0x64: {  	_ =	shalt  }
0x65: {  	_ =	shalt  }
0x66: {  	_ =	shalt  }
0x67: {  	_ =	shalt  }
0x68: {  	_ =	shalt  }
0x69: {  	_ =	shalt  }
0x6a: {  	_ =	shalt  }
0x6b: {  	_ =	shalt  }
0x6c: {  	_ =	shalt  }
0x6d: {  	_ =	shalt  }
0x6e: {  	_ =	shalt  }
0x6f: {  	_ =	shalt  }
0x70: {  	_ =	shalt  }
0x71: {  	_ =	shalt  }
0x72: {  	_ =	shalt  }
0x73: {  	_ =	shalt  }
0x74: {  	_ =	shalt  }
0x75: {  	_ =	shalt  }
0x76: {  	_ =	shalt  }
0x77: {  	_ =	shalt  }
0x78: {  	_ =	shalt  }
0x79: {  	_ =	shalt  }
0x7a: {  	_ =	shalt  }
0x7b: {  	_ =	shalt  }
0x7c: {  	_ =	shalt  }
0x7d: {  	_ =	shalt  }
0x7e: {  	_ =	shalt  }
0x7f: {  	_ =	shalt  }
0x80: {  	_ =	shalt  }
0x81: {  	_ =	shalt  }
0x82: {  	_ =	shalt  }
0x83: {  	_ =	shalt  }
0x84: {  	_ =	shalt  }
0x85: {  	_ =	shalt  }
0x86: {  	_ =	shalt  }
0x87: {  	_ =	shalt  }
.Lfunc_end0:
.L_simem_size_0:
called_computation.1_lowered:
.L_overlay_start_0:
0x88: {  	s2 =	sld [smem:$0x3FD9]  }
0x89: {  	s3 =	sld [smem:$0x3FFE];
	_ =	sdelay $0x1  }
0x8a: {  	s1 =	srdreg.scid  }
0x8b: {  	s0 =	sand.u32 $0x1, s1  }
0x8c: {  	s16 =	sshll.u32 s0, $0xA;
	s2 =	sadd.s32 s3, s2  }
0x8d: {  	s2 =	sadd.s32 s2, s16  }
0x8e: {  	[smem:$0x3FC0] =	sst s2  }
0x8f: {  	_ = 	snop  }
0x90: {  	(tm) =	ssettm $0x1  }
0x91: {  	s17 =	sld [smem:$0x3FFB];
	_ =	sdelay $0x3  }
0x92: {  	_ =	strace s17  }
0x93: {  	s2 =	sld [smem:$0x3FFC];
	_ =	sdelay $0x3  }
0x94: {  	_ =	strace s2  }
0x95: {  	s2 =	sld [smem:$0x3FFD];
	_ =	sdelay $0x3  }
0x96: {  	_ =	strace s2  }
0x97: {  	_ =	strace $0x8FFFFFFF  }
0x98: {  	s18 =	sld [smem:$0x3FDB];
	_ =	sdelay $0x1  }
0x99: {  	s19 =	simm.s32 $_scs_section_size  }
0x9a: {  	s4 =	simm.s32 $_size__tile_overlayer_lowered;
	s5 =	simm.s32 $_tile_overlayer_lowered  }
0x9b: {  	s22 =	simm.s32 $0x1BFF;
	s21 =	sshll.u32 s5, $0x1;
	s2 =	sadd.s32 s19, s18  }
0x9c: {  	s6 =	simm.s32 $0x0;
	s20 =	sshll.u32 s4, $0x1;
	s4 =	sadd.s32 s21, s2  }
0x9d: {  	[timem:s6], [sflag:s22] =	dma.local [hbm:s4], s20  }
0x9e: {  	_ =	swait.ge [sflag:s22], s20  }
0x9f: {  	s3 =	ssub.s32 $0x0, s20;
	[sflag:s22] =	ssyncset.done $0x0  }
0xa0: {  	[sflag:s22] =	ssyncadd.s32 s3;
	_ =	sdelay $0x1  }
0xa1: {  	s23 =	simm.s32 $0x1B8B  }
0xa2: {  	_ =	swait.ge [sflag:s23], $0x1  }
0xa3: {  	[sflag:s23] =	ssyncset.done $0x0  }
0xa4: {  	s25 =	simm.s32 $0x1B8E;
	s24 =	sld [smem:$0x3FFE];
	[sflag:s23] =	ssyncadd.s32 $0xFFFFFFFF  }
0xa5: {  	s26 =	simm.s32 $execute0_lowered;
	[smem:$0x3FD2] =	sst s25  }
0xa6: {  	s4 =	sshll.u32 s26, $0x1;
	_ =	strace $0x80000049;
	[dreg:$0x1] =	wrdreg $0xFFFFFFFF  }
0xa7: {  	s28 =	simm.s32 $_size_execute0_lowered;
	s2 =	sadd.s32 s2, s4;
	[dreg:$0x0] =	wrdreg $0x0  }
0xa8: {  	s4 =	sshll.u32 s28, $0x1;
	[dreg:$0x2] =	wrdreg s2  }
0xa9: {  	[dreg:$0x3] =	wrdreg s4  }
0xaa: {  	[dreg:$0x4] =	wrdreg $0xC0  }
0xab: {  	_ =	task [dreg:s6], $0x5FFFF  }
0xac: {  	[dreg:$0x1] =	wrdreg $0xFFFFFFFF  }
0xad: {  	[dreg:$0x0] =	wrdreg $0x60  }
0xae: {  	[dreg:$0x2] =	wrdreg s24  }
0xaf: {  	[dreg:$0x3] =	wrdreg $0x90000  }
0xb0: {  	[dreg:$0x4] =	wrdreg $0x9  }
0xb1: {  	_ =	task.clear_ibuf [dreg:s6], $0x5FFFF;
	_ =	strace $0x90000049  }
0xb2: {  	s29 =	simm.s32 $0x9;
	_ =	strace $0x8000004B  }
0xb3: {  	_ =	swait.ge [sflag:s29], $0x1  }
0xb4: {  	[sflag:s29] =	ssyncadd.s32 $0xFFFFFFFF  }
0xb5: {  	_ =	strace $0x9000004B  }
0xb6: {  	_ =	sfence  }
0xb7: {  	s30 =	sld [smem:$0x0];
	_ =	sdelay $0x2  }
0xb8: {  	s31 =	sshll.u32 s1, $0xD;
	s1 =	sshrl.u32 s1, $0x2  }
0xb9: {  	s3 =	sand.u32 $0x4000, s31;
	s1 =	sadd.s32 s1, s30  }
0xba: {  	s0 =	sor.u32 s3, s0;
	s1 =	sshll.u32 s1, $0x11  }
0xbb: {  	s0 =	sor.u32 s1, s0  }
0xbc: {  	s0 =	sadd.s32 $0x8F2B, s0  }
0xbd: {  	[sflag:s0] =	ssyncadd.remote.s32 $0x1  }
0xbe: {  	_ =	sfence.sel $0xFFFF  }
0xbf: {  	[dreg:$0x0] =	wrdreg $0xFFFFFFFF;
	(pc) =	sbr.abs _section_cstart, $3  }
0xc0: {  	[dreg:$0x1] =	wrdreg $0xFFFFFFFF  }
0xc1: {  	_ =	task.clear_ibuf [dreg:s6], $0x2FFFF;
	_ =	strace $0x9FFFFFFF  }
0xc2: {  	(tm) =	ssettm $0x7FFFFFFF  }
0xc3: {  	_ =	shalt  }
tec
execute0_lowered:
.L_overlay_start_1:
0x0: {  	(tag) =	ssettag $0x1  }
0x1: {  	s0 =	srdreg.scid;
	s5 =	rddreg [dreg:$0x0]  }
0x2: {  	s2 =	rddreg [dreg:$0x1];
	s1 =	stileid.u32  }
0x3: {  	s3 =	simm.s32 $0x0;
	s7 =	sand.u32 $0x1, s0;
	s0 =	rddreg [dreg:$0x2]  }
0x4: {  	s21 =	simm.s32 $0x80;
	s22 =	simm.s32 $0x1;
	[smem:$0x7FF] =	sst s3  }
0x5: {  	s10 =	smul.u32 $0x13C00, s1;
	s16 =	sadd.s32 $0xDC000, s5;
	s4 =	sshll.u32 s7, $0x4  }
0x6: {  	_ =	strace $0x8000004A;
	s30 =	ssub.s32 $0x2, s7;
	s18 =	smul.u32 $0x13C000, s7  }
0x7: {  	s4 =	sor.u32 s1, s4;
	s31 =	sshrl.u32 s30, $0x1;
	s12 =	sadd.s32 $0x4000, s10  }
0x8: {  	s14 =	sadd.s32 $0x8000, s10;
	s15 =	sadd.s32 $0xC000, s10;
	s19 =	sadd.s32 $0x10000, s10  }
0x9: {  	s6 =	smul.u32 $0x500, s4;
	s4 =	sadd.s32 $0x2400, s5;
	s17 =	ssub.s32 s30, s31  }
0xa: {  	s7 =	sadd.s32 s14, s2;
	s8 =	sadd.s32 s15, s2;
	s9 =	sadd.s32 s19, s2  }
0xb: {  	s13 =	sadd.s32 s10, s18;
	s14 =	sadd.s32 s18, s14;
	s15 =	sadd.s32 s18, s15  }
0xc: {  	s13 =	sshrl.u32 s13, $0x3;
	s14 =	sshrl.u32 s14, $0x3;
	s15 =	sshrl.u32 s15, $0x3  }
0xd: {  	s17 =	smax.u32 s17, $0x1;
	s11 =	sadd.s32 s6, s5;
	s5 =	sadd.s32 s10, s2  }
0xe: {  	s6 =	sadd.s32 s12, s2;
	s12 =	sadd.s32 s18, s12;
	s18 =	sadd.s32 s18, s19  }
0xf: {  	s14 =	sadd.s32 s16, s14;
	s15 =	sadd.s32 s16, s15;
	s19 =	simm.s32 $0x2  }
0x10: {  	s10 =	sadd.s32 $0x34000, s11;
	s20 =	sshrl.u32 s12, $0x3;
	s11 =	sadd.s32 $0x2A000, s11  }
0x11: {  	s12 =	sadd.s32 s16, s13;
	s18 =	sshrl.u32 s18, $0x3;
	s13 =	sadd.s32 s16, s20  }
0x12: {  	v0 =	vimm.f32 $0.0e+00;
	s16 =	sadd.s32 s16, s18;
	s18 =	simm.s32 $0x5000;
	s20 =	simm.s32 $0x2800  }
.LBB2_1:
0x13: {  	s23 =	simm.s32 $0x0;
	s24 =	simm.s32 $0x200  }
.LBB2_2:
0x14: {  	p0 =	sne.s32 s24, $0xFE00;
	[tilespmem:s23+$0x5070] =	vst v0  }
0x15: {  	[tilespmem:s23+$0x5000] =	vst v0  }
0x16: {  	[tilespmem:s23+$0x5010] =	vst v0  }
.Ltmp0:
0x17: {  	[tilespmem:s23+$0x5020] =	vst v0;
	(pc) =	sbr.rel @p0 .LBB2_2-.Ltmp0, $4  }
0x18: {  	[tilespmem:s23+$0x5030] =	vst v0  }
0x19: {  	[tilespmem:s23+$0x5040] =	vst v0  }
0x1a: {  	[tilespmem:s23+$0x5050] =	vst v0  }
0x1b: {  	[tilespmem:s23+$0x5060] =	vst v0;
	s23 =	sshra.s32 s24, $0x2;
	s24 =	sadd.s32 $0x200, s24  }
0x1c: {  	[tilespmem:s23+$0x5070] =	vst v0  }
0x1d: {  	[tilespmem:s23+$0x5000] =	vst v0  }
0x1e: {  	[tilespmem:s23+$0x5010] =	vst v0  }
0x1f: {  	[tilespmem:s23+$0x5020] =	vst v0  }
0x20: {  	[tilespmem:s23+$0x5030] =	vst v0  }
0x21: {  	[tilespmem:s23+$0x5040] =	vst v0  }
0x22: {  	[tilespmem:s23+$0x5050] =	vst v0  }
0x23: {  	[tilespmem:s23+$0x5060] =	vst v0  }
0x24: {  	[spmem:s5] =	stream.linear.scatter [tilespmem:s18], [sflag:$0x2], $0x4000, $0x38;
	[tilespmem:$0x1CC00] =	vst v63  }
0x25: {  	_ =	swait.ge [sflag:s19], $0x4000  }
0x26: {  	[sflag:s19] =	ssyncset.done $0x0  }
0x27: {  	[sflag:s19] =	ssyncadd.s32 $0xFFFFC000  }
0x28: {  	[spmem:s6] =	stream.linear.scatter [tilespmem:s18], [sflag:$0x2], $0x4000, $0x38;
	[tilespmem:$0x1CC00] =	vst v63  }
0x29: {  	_ =	swait.ge [sflag:s19], $0x4000  }
0x2a: {  	[sflag:s19] =	ssyncset.done $0x0  }
0x2b: {  	[sflag:s19] =	ssyncadd.s32 $0xFFFFC000  }
0x2c: {  	[spmem:s7] =	stream.linear.scatter [tilespmem:s18], [sflag:$0x2], $0x4000, $0x38;
	[tilespmem:$0x1CC00] =	vst v63  }
0x2d: {  	_ =	swait.ge [sflag:s19], $0x4000  }
0x2e: {  	[sflag:s19] =	ssyncset.done $0x0  }
0x2f: {  	[sflag:s19] =	ssyncadd.s32 $0xFFFFC000  }
0x30: {  	[spmem:s8] =	stream.linear.scatter [tilespmem:s18], [sflag:$0x2], $0x4000, $0x38;
	[tilespmem:$0x1CC00] =	vst v63  }
0x31: {  	_ =	swait.ge [sflag:s19], $0x4000  }
0x32: {  	[sflag:s19] =	ssyncset.done $0x0  }
0x33: {  	[sflag:s19] =	ssyncadd.s32 $0xFFFFC000  }
0x34: {  	[spmem:s9] =	stream.linear.scatter [tilespmem:s18], [sflag:$0x2], $0x3C00, $0x38;
	[tilespmem:$0x1CC00] =	vst v63  }
0x35: {  	_ =	swait.ge [sflag:s19], $0x3C00  }
0x36: {  	[sflag:s19] =	ssyncset.done $0x0  }
0x37: {  	[sflag:s19] =	ssyncadd.s32 $0xFFFFC400  }
0x38: {  	s29 =	simm.s32 $0x0;
	[bflag:$0x0] =	sbarrier.arrive $0xFFFF  }
0x39: {  	[tilespmem:s29], [sflag:$0x2] =	stream.linear.gather [hbm4b:s10+s29], $0x2800, $0x38;
	[tilespmem:$0x1CC00] =	vst v63  }
0x3a: {  	_ =	swait.ge [sflag:s19], $0x2800  }
0x3b: {  	[sflag:s19] =	ssyncset.done $0x0  }
0x3c: {  	[sflag:s19] =	ssyncadd.s32 $0xFFFFD800  }
0x3d: {  	[tilespmem:s20], [sflag:$0x2] =	stream.linear.gather [hbm4b:s11+s29], $0x2800, $0x38;
	[tilespmem:$0x1CC00] =	vst v63  }
0x3e: {  	_ =	swait.ge [sflag:s19], $0x2800  }
0x3f: {  	[sflag:s19] =	ssyncset.done $0x0  }
0x40: {  	s30 =	simm.s32 $0x0;
	[sflag:s19] =	ssyncadd.s32 $0xFFFFD800  }
0x41: {  	[tilespmem:s18], [sflag:$0x1] =	stream.indirect.gather [hbm4b:s4+s21], $0x80, s30, s21, $0xb8;
	[tilespmem:$0x1CC00] =	vst v63  }
0x42: {  	_ =	swait.ge [sflag:s22], $0x4000  }
0x43: {  	[sflag:s22] =	ssyncset.done $0x0  }
0x44: {  	s31 =	simm.s32 $0x2800;
	[sflag:s22] =	ssyncadd.s32 $0xFFFFC000  }
0x45: {  	[spmem:s2] =	stream.indirect.scatter.add.f32 [tilespmem:s18], [sflag:$0x2], $0x80, s31, s21, $0xb8;
	[tilespmem:$0x1CC00] =	vst v63  }
0x46: {  	_ =	swait.ge [sflag:s19], $0x4000  }
0x47: {  	s23 =	simm.s32 $0x200;
	s24 =	simm.s32 $0x400;
	[sflag:s19] =	ssyncset.done $0x0  }
.LBB2_4:
0x48: {  	s25 =	sshra.s32 s23, $0x2  }
0x49: {  	[sflag:s19] =	ssyncadd.s32 $0xFFFFC000;
	s23 =	smov.u32 s24;
	s26 =	sadd.s32 $0x200, s24  }
0x4a: {  	[tilespmem:s18], [sflag:$0x1] =	stream.indirect.gather [hbm4b:s4+s21], $0x80, s25, s21, $0xb8;
	[tilespmem:$0x1CC00] =	vst v63  }
0x4b: {  	p0 =	sne.s32 s24, $0x9E00;
	_ =	swait.ge [sflag:s22], $0x4000  }
.Ltmp1:
0x4c: {  	[sflag:s22] =	ssyncset.done $0x0;
	(pc) =	sbr.rel @p0 .LBB2_4-.Ltmp1, $4  }
0x4d: {  	s24 =	sadd.s32 $0x2800, s25;
	[sflag:s22] =	ssyncadd.s32 $0xFFFFC000  }
0x4e: {  	[spmem:s2] =	stream.indirect.scatter.add.f32 [tilespmem:s18], [sflag:$0x2], $0x80, s24, s21, $0xb8;
	[tilespmem:$0x1CC00] =	vst v63  }
0x4f: {  	_ =	swait.ge [sflag:s19], $0x4000  }
0x50: {  	s24 =	smov.u32 s26;
	[sflag:s19] =	ssyncset.done $0x0  }
0x51: {  	s23 =	sshra.s32 s23, $0x2;
	[sflag:s19] =	ssyncadd.s32 $0xFFFFC000  }
0x52: {  	[tilespmem:s18], [sflag:$0x1] =	stream.indirect.gather [hbm4b:s4+s21], $0x80, s23, s21, $0xb8;
	[tilespmem:$0x1CC00] =	vst v63  }
0x53: {  	_ =	swait.ge [sflag:s22], $0x4000  }
0x54: {  	[sflag:s22] =	ssyncset.done $0x0  }
0x55: {  	s23 =	sadd.s32 $0x2800, s23;
	[sflag:s22] =	ssyncadd.s32 $0xFFFFC000  }
0x56: {  	[spmem:s2] =	stream.indirect.scatter.add.f32 [tilespmem:s18], [sflag:$0x2], $0x80, s23, s21, $0xb8;
	[tilespmem:$0x1CC00] =	vst v63  }
0x57: {  	_ =	swait.ge [sflag:s19], $0x4000  }
0x58: {  	[sflag:s19] =	ssyncset.done $0x0  }
0x59: {  	s26 =	sshll.u32 s1, $0x6;
	[sflag:s19] =	ssyncadd.s32 $0xFFFFC000  }
0x5a: {  	s24 =	sshrl.u32 s5, $0x3;
	s23 =	sor.u32 $0x1C02, s26;
	[bflag:$0x0] =	sbarrier.arrive $0xFFFF  }
0x5b: {  	[hbm:s12], [sflag:s23] =	dma.local [spmem:s24], $0x800  }
0x5c: {  	_ =	swait.ge [sflag:s19], $0x800  }
0x5d: {  	[sflag:s19] =	ssyncset.done $0x0  }
0x5e: {  	s28 =	sshrl.u32 s6, $0x3;
	[sflag:s19] =	ssyncadd.s32 $0xFFFFF800  }
0x5f: {  	[hbm:s13], [sflag:s23] =	dma.local [spmem:s28], $0x800  }
0x60: {  	_ =	swait.ge [sflag:s19], $0x800  }
0x61: {  	[sflag:s19] =	ssyncset.done $0x0  }
0x62: {  	s29 =	sshrl.u32 s7, $0x3;
	[sflag:s19] =	ssyncadd.s32 $0xFFFFF800  }
0x63: {  	[hbm:s14], [sflag:s23] =	dma.local [spmem:s29], $0x800  }
0x64: {  	_ =	swait.ge [sflag:s19], $0x800  }
0x65: {  	[sflag:s19] =	ssyncset.done $0x0  }
0x66: {  	s30 =	sshrl.u32 s8, $0x3;
	[sflag:s19] =	ssyncadd.s32 $0xFFFFF800  }
0x67: {  	[hbm:s15], [sflag:s23] =	dma.local [spmem:s30], $0x800  }
0x68: {  	s3 =	sadd.s32 $0x1, s3;
	_ =	swait.ge [sflag:s19], $0x800  }
0x69: {  	p0 =	sne.s32 s3, s17;
	[sflag:s19] =	ssyncset.done $0x0  }
.Ltmp2:
0x6a: {  	s31 =	sshrl.u32 s9, $0x3;
	[sflag:s19] =	ssyncadd.s32 $0xFFFFF800;
	(pc) =	sbr.rel @p0 .LBB2_1-.Ltmp2, $4  }
0x6b: {  	[hbm:s16], [sflag:s23] =	dma.local [spmem:s31], $0x780  }
0x6c: {  	_ =	swait.ge [sflag:s19], $0x780  }
0x6d: {  	[sflag:s19] =	ssyncset.done $0x0  }
0x6e: {  	[sflag:s19] =	ssyncadd.s32 $0xFFFFF880  }
0x6f: {  	_ =	sfence.sel $0x180000  }
0x70: {  	[bflag:$0x0] =	sbarrier.arrive $0xFFFF  }
0x71: {  	p0 =	sne.s32 s1, $0x0;
	_ =	strace $0x9000004A  }
0x72: {  	s0 =	sadd.s32 @!p0 $0x100000, s0;
	[bflag:$0x2] =	sbarrier.arrive $0xFFFF  }
0x73: {  	[sflag:s0] =	ssyncadd.tile.s32 @!p0 $0x1;
	_ =	shalt  }
.Lfunc_end2:
_tile_overlayer_lowered:
.L_overlay_start_2:
0x74: {  	(tag) =	ssettag $0x2  }
0x75: {  	s0 =	rddreg [dreg:$0x0];
	s2 =	stileid.u32  }
0x76: {  	s1 =	rddreg [dreg:$0x1];
	p0 =	sne.s32 s2, $0x0  }
0x77: {  	s3 =	rddreg [dreg:$0x2];
	[bflag:$0x3] =	sbarrier.arrive $0xFFFF;
	s2 =	simm.s32 @!p0 $0x1C02  }
0x78: {  	[timem:s3], [sflag:s2] =	dma.local @!p0 [hbm:s0], s1  }
0x79: {  	s0 =	simm.s32 @!p0 $0x2  }
0x7a: {  	_ =	swait.ge @!p0 [sflag:s0], s1  }
0x7b: {  	s1 =	ssub.s32 @!p0 $0x0, s1;
	[sflag:s0] =	ssyncset.done @!p0 $0x0  }
0x7c: {  	[sflag:s0] =	ssyncadd.s32 @!p0 s1  }
0x7d: {  	[bflag:$0x3] =	sbarrier.arrive $0xFFFF  }
0x7e: {  	_ =	shalt  }

// kernel: kernel.14.cloned.1.call-start
scs
__scs_entry_jumppad:
0x0: {  	(pc) =	sbr.rel $0x88, $3  }
0x1: {  	(tag) =	ssettag $0x0;
	lr =	simm.s32 $0x1  }
0x2: {  	[smem:$0x3F99] =	sst lr;
	_ =	strace $0xD0000000  }
0x3: {  	_ = 	snop  }
0x4: {  	_ = 	snop  }
0x5: {  	_ = 	snop  }
0x6: {  	_ = 	snop  }
0x7: {  	_ = 	snop  }
__scs_overlays_trampoline_lowered:
0x8: {  	[smem:$0x3FA8] =	sst s0  }
0x9: {  	[smem:$0x3FA9] =	sst s1  }
0xa: {  	[smem:$0x3FAA] =	sst s2  }
0xb: {  	[smem:$0x3FAB] =	sst s3  }
0xc: {  	[smem:$0x3FAC] =	sst s4  }
0xd: {  	[smem:$0x3FAD] =	sst s5  }
0xe: {  	[smem:$0x3FAE] =	sst s6  }
0xf: {  	[smem:$0x3FAF] =	sst s7  }
0x10: {  	[smem:$0x3FB0] =	sst s8  }
0x11: {  	[smem:$0x3FB1] =	sst s9;
	s0 =	simm.s32 @!p0 $0x0  }
0x12: {  	s1 =	sld [smem:$0x3F97];
	s0 =	simm.s32 @p0 $0x1  }
0x13: {  	[smem:$0x3FB2] =	sst s0;
	s0 =	simm.s32 @!p1 $0x0  }
0x14: {  	s2 =	sld [smem:$0x3F96];
	s0 =	simm.s32 @p1 $0x1  }
0x15: {  	[smem:$0x3FB3] =	sst s0;
	s0 =	simm.s32 @!p2 $0x0  }
0x16: {  	s3 =	sld [smem:$0x3FDB];
	s0 =	simm.s32 @p2 $0x1  }
0x17: {  	s4 =	simm.s32 $0x1BF5;
	[smem:$0x3FB5] =	sst s0  }
0x18: {  	s0 =	sld [smem:$0x3F98];
	_ =	swait.ge [sflag:s4], $0x0  }
0x19: {  	s7 =	sld [smem:$0x3F99]  }
0x1a: {  	s8 =	sadd.s32 $0xFFFFE003, lr  }
0x1b: {  	s9 =	sadd.s32 $0xFFFFFEF7, lr;
	s5 =	simm.s32 $0xFFFFFFFF;
	p2 =	slt.u32 s8, $0xFFFFF086  }
0x1c: {  	p1 =	slt.u32 s9, $0xF7A;
	s5 =	simm.s32 @!p2 $0x0  }
0x1d: {  	s5 =	simm.s32 @p1 $0x1;
	p0 =	seq.s32 s7, s2  }
0x1e: {  	s7 =	smul.u32 @!p0 $0xF7A, s2;
	p2 =	seq.s32 @!p0 s5, $0x0  }
0x1f: {  	s9 =	smul.u32 $0xF7A, s1;
	s8 =	simm.s32 @!p0 $0x1BF5;
	p2 =	por !p2, p0  }
0x20: {  	[sflag:s8] =	ssyncset.s32 @!p0 $0xFFFFF086;
	s6 =	sadd.s32 @!p0 s3, s7;
	s7 =	simm.s32 @!p0 $0x108  }
0x21: {  	s3 =	sadd.s32 s3, s9;
	s6 =	sadd.s32 @!p0 $0x88, s6;
	s7 =	simm.s32 @p2 $0x1082  }
0x22: {  	[simem:s7], [sflag:s8] =	dma.local @!p0 [hbm:s6], $0xF7A  }
0x23: {  	s9 =	sor.u32 $0xD0000000, s2;
	s6 =	simm.s32 $0x108;
	_ =	swait.ge @!p0 [sflag:s8], $0x0  }
0x24: {  	s3 =	sadd.s32 $0x88, s3;
	s6 =	simm.s32 @!p1 $0x1082;
	[sflag:s4] =	ssyncset.s32 $0xFFFFF086  }
0x25: {  	[simem:s6], [sflag:s4] =	dma.local [hbm:s3], $0xF7A  }
0x26: {  	[smem:$0x3F99] =	sst s1;
	(tag) =	ssettag s2;
	_ =	strace s9  }
0x27: {  	s1 =	sld [smem:$0x3FA9]  }
0x28: {  	s2 =	sld [smem:$0x3FAA]  }
0x29: {  	s4 =	sld [smem:$0x3FAC]  }
0x2a: {  	p0 =	seq.s32 s5, $0x0;
	s5 =	sld [smem:$0x3FAD]  }
0x2b: {  	s6 =	sld [smem:$0x3FAE]  }
0x2c: {  	s7 =	sld [smem:$0x3FAF]  }
0x2d: {  	s3 =	simm.s32 $0x108;
	s8 =	sld [smem:$0x3FB0]  }
0x2e: {  	s3 =	simm.s32 @!p0 $0x1082;
	s9 =	sld [smem:$0x3FB1]  }
0x2f: {  	lr =	sadd.s32 s0, s3;
	s0 =	sld [smem:$0x3FA8]  }
0x30: {  	s3 =	sld [smem:$0x3FAB]  }
0x31: {  	[smem:$0x3FB4] =	sst s10  }
0x32: {  	s10 =	sld [smem:$0x3FB2];
	_ =	sdelay $0x3  }
0x33: {  	p0 =	seq.s32 s10, $0x1;
	s10 =	sld [smem:$0x3FB4];
	_ =	sdelay $0x3  }
0x34: {  	[smem:$0x3FB4] =	sst s10  }
0x35: {  	s10 =	sld [smem:$0x3FB3];
	_ =	sdelay $0x3  }
0x36: {  	p1 =	seq.s32 s10, $0x1;
	s10 =	sld [smem:$0x3FB4];
	_ =	sdelay $0x3  }
0x37: {  	[smem:$0x3FB4] =	sst s10  }
0x38: {  	s10 =	sld [smem:$0x3FB5]  }
0x39: {  	_ = 	snop;
	(pc) =	sbr.ind lr, $3  }
0x3a: {  	_ = 	snop  }
0x3b: {  	_ = 	snop  }
0x3c: {  	p2 =	seq.s32 s10, $0x1;
	s10 =	sld [smem:$0x3FB4]  }
0x3d: {  	_ =	shalt  }
0x3e: {  	_ =	shalt  }
0x3f: {  	_ =	shalt  }
0x40: {  	_ =	shalt  }
0x41: {  	_ =	shalt  }
0x42: {  	_ =	shalt  }
0x43: {  	_ =	shalt  }
0x44: {  	_ =	shalt  }
0x45: {  	_ =	shalt  }
0x46: {  	_ =	shalt  }
0x47: {  	_ =	shalt  }
0x48: {  	_ =	shalt  }
0x49: {  	_ =	shalt  }
0x4a: {  	_ =	shalt  }
0x4b: {  	_ =	shalt  }
0x4c: {  	_ =	shalt  }
0x4d: {  	_ =	shalt  }
0x4e: {  	_ =	shalt  }
0x4f: {  	_ =	shalt  }
0x50: {  	_ =	shalt  }
0x51: {  	_ =	shalt  }
0x52: {  	_ =	shalt  }
0x53: {  	_ =	shalt  }
0x54: {  	_ =	shalt  }
0x55: {  	_ =	shalt  }
0x56: {  	_ =	shalt  }
0x57: {  	_ =	shalt  }
0x58: {  	_ =	shalt  }
0x59: {  	_ =	shalt  }
0x5a: {  	_ =	shalt  }
0x5b: {  	_ =	shalt  }
0x5c: {  	_ =	shalt  }
0x5d: {  	_ =	shalt  }
0x5e: {  	_ =	shalt  }
0x5f: {  	_ =	shalt  }
0x60: {  	_ =	shalt  }
0x61: {  	_ =	shalt  }
0x62: {  	_ =	shalt  }
0x63: {  	_ =	shalt  }
0x64: {  	_ =	shalt  }
0x65: {  	_ =	shalt  }
0x66: {  	_ =	shalt  }
0x67: {  	_ =	shalt  }
0x68: {  	_ =	shalt  }
0x69: {  	_ =	shalt  }
0x6a: {  	_ =	shalt  }
0x6b: {  	_ =	shalt  }
0x6c: {  	_ =	shalt  }
0x6d: {  	_ =	shalt  }
0x6e: {  	_ =	shalt  }
0x6f: {  	_ =	shalt  }
0x70: {  	_ =	shalt  }
0x71: {  	_ =	shalt  }
0x72: {  	_ =	shalt  }
0x73: {  	_ =	shalt  }
0x74: {  	_ =	shalt  }
0x75: {  	_ =	shalt  }
0x76: {  	_ =	shalt  }
0x77: {  	_ =	shalt  }
0x78: {  	_ =	shalt  }
0x79: {  	_ =	shalt  }
0x7a: {  	_ =	shalt  }
0x7b: {  	_ =	shalt  }
0x7c: {  	_ =	shalt  }
0x7d: {  	_ =	shalt  }
0x7e: {  	_ =	shalt  }
0x7f: {  	_ =	shalt  }
0x80: {  	_ =	shalt  }
0x81: {  	_ =	shalt  }
0x82: {  	_ =	shalt  }
0x83: {  	_ =	shalt  }
0x84: {  	_ =	shalt  }
0x85: {  	_ =	shalt  }
0x86: {  	_ =	shalt  }
0x87: {  	_ =	shalt  }
.Lfunc_end0:
.L_simem_size_0:
called_computation.2_lowered:
.L_overlay_start_0:
0x88: {  	s2 =	sld [smem:$0x3FD9]  }
0x89: {  	s3 =	sld [smem:$0x3FFE];
	_ =	sdelay $0x1  }
0x8a: {  	s1 =	srdreg.scid  }
0x8b: {  	s0 =	sand.u32 $0x1, s1  }
0x8c: {  	s16 =	sshll.u32 s0, $0xA;
	s2 =	sadd.s32 s3, s2  }
0x8d: {  	s2 =	sadd.s32 s2, s16  }
0x8e: {  	[smem:$0x3FC0] =	sst s2  }
0x8f: {  	_ = 	snop  }
0x90: {  	(tm) =	ssettm $0x1  }
0x91: {  	s17 =	sld [smem:$0x3FFB];
	_ =	sdelay $0x3  }
0x92: {  	_ =	strace s17  }
0x93: {  	s2 =	sld [smem:$0x3FFC];
	_ =	sdelay $0x3  }
0x94: {  	_ =	strace s2  }
0x95: {  	s2 =	sld [smem:$0x3FFD];
	_ =	sdelay $0x3  }
0x96: {  	_ =	strace s2  }
0x97: {  	_ =	strace $0x8FFFFFFF  }
0x98: {  	s18 =	sld [smem:$0x3FDB];
	_ =	sdelay $0x1  }
0x99: {  	s19 =	simm.s32 $_scs_section_size  }
0x9a: {  	s4 =	simm.s32 $_size__tile_overlayer_lowered;
	s5 =	simm.s32 $_tile_overlayer_lowered  }
0x9b: {  	s22 =	simm.s32 $0x1BFF;
	s21 =	sshll.u32 s5, $0x1;
	s2 =	sadd.s32 s19, s18  }
0x9c: {  	s6 =	simm.s32 $0x0;
	s20 =	sshll.u32 s4, $0x1;
	s4 =	sadd.s32 s21, s2  }
0x9d: {  	[timem:s6], [sflag:s22] =	dma.local [hbm:s4], s20  }
0x9e: {  	_ =	swait.ge [sflag:s22], s20  }
0x9f: {  	s3 =	ssub.s32 $0x0, s20;
	[sflag:s22] =	ssyncset.done $0x0  }
0xa0: {  	[sflag:s22] =	ssyncadd.s32 s3;
	_ =	sdelay $0x1  }
0xa1: {  	s23 =	simm.s32 $0x1B8B  }
0xa2: {  	_ =	swait.ge [sflag:s23], $0x1  }
0xa3: {  	[sflag:s23] =	ssyncset.done $0x0  }
0xa4: {  	s25 =	simm.s32 $0x1B8E;
	s24 =	sld [smem:$0x3FFE];
	[sflag:s23] =	ssyncadd.s32 $0xFFFFFFFF  }
0xa5: {  	s26 =	simm.s32 $execute0_lowered;
	[smem:$0x3FD2] =	sst s25  }
0xa6: {  	s4 =	sshll.u32 s26, $0x1;
	_ =	strace $0x8000004C;
	[dreg:$0x1] =	wrdreg $0xFFFFFFFF  }
0xa7: {  	s28 =	simm.s32 $_size_execute0_lowered;
	s2 =	sadd.s32 s2, s4;
	[dreg:$0x0] =	wrdreg $0x0  }
0xa8: {  	s4 =	sshll.u32 s28, $0x1;
	[dreg:$0x2] =	wrdreg s2  }
0xa9: {  	[dreg:$0x3] =	wrdreg s4  }
0xaa: {  	[dreg:$0x4] =	wrdreg $0xC0  }
0xab: {  	_ =	task [dreg:s6], $0x5FFFF  }
0xac: {  	[dreg:$0x1] =	wrdreg $0xFFFFFFFF  }
0xad: {  	[dreg:$0x0] =	wrdreg $0x60  }
0xae: {  	[dreg:$0x2] =	wrdreg s24  }
0xaf: {  	[dreg:$0x3] =	wrdreg $0x90000  }
0xb0: {  	[dreg:$0x4] =	wrdreg $0x9  }
0xb1: {  	_ =	task.clear_ibuf [dreg:s6], $0x5FFFF;
	_ =	strace $0x9000004C  }
0xb2: {  	s29 =	simm.s32 $0x9;
	_ =	strace $0x8000004E  }
0xb3: {  	_ =	swait.ge [sflag:s29], $0x1  }
0xb4: {  	[sflag:s29] =	ssyncadd.s32 $0xFFFFFFFF  }
0xb5: {  	_ =	strace $0x9000004E  }
0xb6: {  	_ =	sfence  }
0xb7: {  	s30 =	sld [smem:$0x0];
	_ =	sdelay $0x2  }
0xb8: {  	s31 =	sshll.u32 s1, $0xD;
	s1 =	sshrl.u32 s1, $0x2  }
0xb9: {  	s3 =	sand.u32 $0x4000, s31;
	s1 =	sadd.s32 s1, s30  }
0xba: {  	s0 =	sor.u32 s3, s0;
	s1 =	sshll.u32 s1, $0x11  }
0xbb: {  	s0 =	sor.u32 s1, s0  }
0xbc: {  	s0 =	sadd.s32 $0x8F2B, s0  }
0xbd: {  	[sflag:s0] =	ssyncadd.remote.s32 $0x1  }
0xbe: {  	_ =	sfence.sel $0xFFFF  }
0xbf: {  	[dreg:$0x0] =	wrdreg $0xFFFFFFFF;
	(pc) =	sbr.abs _section_cstart, $3  }
0xc0: {  	[dreg:$0x1] =	wrdreg $0xFFFFFFFF  }
0xc1: {  	_ =	task.clear_ibuf [dreg:s6], $0x2FFFF;
	_ =	strace $0x9FFFFFFF  }
0xc2: {  	(tm) =	ssettm $0x7FFFFFFF  }
0xc3: {  	_ =	shalt  }
tec
execute0_lowered:
.L_overlay_start_1:
0x0: {  	(tag) =	ssettag $0x1  }
0x1: {  	s0 =	srdreg.scid;
	s5 =	rddreg [dreg:$0x0]  }
0x2: {  	s2 =	rddreg [dreg:$0x1];
	s1 =	stileid.u32  }
0x3: {  	s3 =	simm.s32 $0x0;
	s7 =	sand.u32 $0x1, s0;
	s0 =	rddreg [dreg:$0x2]  }
0x4: {  	s21 =	simm.s32 $0x80;
	s22 =	simm.s32 $0x1;
	[smem:$0x7FF] =	sst s3  }
0x5: {  	s10 =	smul.u32 $0x13C00, s1;
	s16 =	sadd.s32 $0xDC000, s5;
	s4 =	sshll.u32 s7, $0x4  }
0x6: {  	_ =	strace $0x8000004D;
	s30 =	ssub.s32 $0x2, s7;
	s18 =	smul.u32 $0x13C000, s7  }
0x7: {  	s4 =	sor.u32 s1, s4;
	s31 =	sshrl.u32 s30, $0x1;
	s12 =	sadd.s32 $0x4000, s10  }
0x8: {  	s14 =	sadd.s32 $0x8000, s10;
	s15 =	sadd.s32 $0xC000, s10;
	s19 =	sadd.s32 $0x10000, s10  }
0x9: {  	s6 =	smul.u32 $0x500, s4;
	s4 =	sadd.s32 $0x2400, s5;
	s17 =	ssub.s32 s30, s31  }
0xa: {  	s7 =	sadd.s32 s14, s2;
	s8 =	sadd.s32 s15, s2;
	s9 =	sadd.s32 s19, s2  }
0xb: {  	s13 =	sadd.s32 s10, s18;
	s14 =	sadd.s32 s18, s14;
	s15 =	sadd.s32 s18, s15  }
0xc: {  	s13 =	sshrl.u32 s13, $0x3;
	s14 =	sshrl.u32 s14, $0x3;
	s15 =	sshrl.u32 s15, $0x3  }
0xd: {  	s17 =	smax.u32 s17, $0x1;
	s11 =	sadd.s32 s6, s5;
	s5 =	sadd.s32 s10, s2  }
0xe: {  	s6 =	sadd.s32 s12, s2;
	s12 =	sadd.s32 s18, s12;
	s18 =	sadd.s32 s18, s19  }
0xf: {  	s14 =	sadd.s32 s16, s14;
	s15 =	sadd.s32 s16, s15;
	s19 =	simm.s32 $0x2  }
0x10: {  	s10 =	sadd.s32 $0x34000, s11;
	s20 =	sshrl.u32 s12, $0x3;
	s11 =	sadd.s32 $0x2A000, s11  }
0x11: {  	s12 =	sadd.s32 s16, s13;
	s18 =	sshrl.u32 s18, $0x3;
	s13 =	sadd.s32 s16, s20  }
0x12: {  	v0 =	vimm.f32 $0.0e+00;
	s16 =	sadd.s32 s16, s18;
	s18 =	simm.s32 $0x5000;
	s20 =	simm.s32 $0x2800  }
.LBB2_1:
0x13: {  	s23 =	simm.s32 $0x0;
	s24 =	simm.s32 $0x200  }
.LBB2_2:
0x14: {  	p0 =	sne.s32 s24, $0xFE00;
	[tilespmem:s23+$0x5070] =	vst v0  }
0x15: {  	[tilespmem:s23+$0x5000] =	vst v0  }
0x16: {  	[tilespmem:s23+$0x5010] =	vst v0  }
.Ltmp0:
0x17: {  	[tilespmem:s23+$0x5020] =	vst v0;
	(pc) =	sbr.rel @p0 .LBB2_2-.Ltmp0, $4  }
0x18: {  	[tilespmem:s23+$0x5030] =	vst v0  }
0x19: {  	[tilespmem:s23+$0x5040] =	vst v0  }
0x1a: {  	[tilespmem:s23+$0x5050] =	vst v0  }
0x1b: {  	[tilespmem:s23+$0x5060] =	vst v0;
	s23 =	sshra.s32 s24, $0x2;
	s24 =	sadd.s32 $0x200, s24  }
0x1c: {  	[tilespmem:s23+$0x5070] =	vst v0  }
0x1d: {  	[tilespmem:s23+$0x5000] =	vst v0  }
0x1e: {  	[tilespmem:s23+$0x5010] =	vst v0  }
0x1f: {  	[tilespmem:s23+$0x5020] =	vst v0  }
0x20: {  	[tilespmem:s23+$0x5030] =	vst v0  }
0x21: {  	[tilespmem:s23+$0x5040] =	vst v0  }
0x22: {  	[tilespmem:s23+$0x5050] =	vst v0  }
0x23: {  	[tilespmem:s23+$0x5060] =	vst v0  }
0x24: {  	[spmem:s5] =	stream.linear.scatter [tilespmem:s18], [sflag:$0x2], $0x4000, $0x38;
	[tilespmem:$0x1CC00] =	vst v63  }
0x25: {  	_ =	swait.ge [sflag:s19], $0x4000  }
0x26: {  	[sflag:s19] =	ssyncset.done $0x0  }
0x27: {  	[sflag:s19] =	ssyncadd.s32 $0xFFFFC000  }
0x28: {  	[spmem:s6] =	stream.linear.scatter [tilespmem:s18], [sflag:$0x2], $0x4000, $0x38;
	[tilespmem:$0x1CC00] =	vst v63  }
0x29: {  	_ =	swait.ge [sflag:s19], $0x4000  }
0x2a: {  	[sflag:s19] =	ssyncset.done $0x0  }
0x2b: {  	[sflag:s19] =	ssyncadd.s32 $0xFFFFC000  }
0x2c: {  	[spmem:s7] =	stream.linear.scatter [tilespmem:s18], [sflag:$0x2], $0x4000, $0x38;
	[tilespmem:$0x1CC00] =	vst v63  }
0x2d: {  	_ =	swait.ge [sflag:s19], $0x4000  }
0x2e: {  	[sflag:s19] =	ssyncset.done $0x0  }
0x2f: {  	[sflag:s19] =	ssyncadd.s32 $0xFFFFC000  }
0x30: {  	[spmem:s8] =	stream.linear.scatter [tilespmem:s18], [sflag:$0x2], $0x4000, $0x38;
	[tilespmem:$0x1CC00] =	vst v63  }
0x31: {  	_ =	swait.ge [sflag:s19], $0x4000  }
0x32: {  	[sflag:s19] =	ssyncset.done $0x0  }
0x33: {  	[sflag:s19] =	ssyncadd.s32 $0xFFFFC000  }
0x34: {  	[spmem:s9] =	stream.linear.scatter [tilespmem:s18], [sflag:$0x2], $0x3C00, $0x38;
	[tilespmem:$0x1CC00] =	vst v63  }
0x35: {  	_ =	swait.ge [sflag:s19], $0x3C00  }
0x36: {  	[sflag:s19] =	ssyncset.done $0x0  }
0x37: {  	[sflag:s19] =	ssyncadd.s32 $0xFFFFC400  }
0x38: {  	s29 =	simm.s32 $0x0;
	[bflag:$0x0] =	sbarrier.arrive $0xFFFF  }
0x39: {  	[tilespmem:s29], [sflag:$0x2] =	stream.linear.gather [hbm4b:s10+s29], $0x2800, $0x38;
	[tilespmem:$0x1CC00] =	vst v63  }
0x3a: {  	_ =	swait.ge [sflag:s19], $0x2800  }
0x3b: {  	[sflag:s19] =	ssyncset.done $0x0  }
0x3c: {  	[sflag:s19] =	ssyncadd.s32 $0xFFFFD800  }
0x3d: {  	[tilespmem:s20], [sflag:$0x2] =	stream.linear.gather [hbm4b:s11+s29], $0x2800, $0x38;
	[tilespmem:$0x1CC00] =	vst v63  }
0x3e: {  	_ =	swait.ge [sflag:s19], $0x2800  }
0x3f: {  	[sflag:s19] =	ssyncset.done $0x0  }
0x40: {  	s30 =	simm.s32 $0x0;
	[sflag:s19] =	ssyncadd.s32 $0xFFFFD800  }
0x41: {  	[tilespmem:s18], [sflag:$0x1] =	stream.indirect.gather [hbm4b:s4+s21], $0x80, s30, s21, $0xb8;
	[tilespmem:$0x1CC00] =	vst v63  }
0x42: {  	_ =	swait.ge [sflag:s22], $0x4000  }
0x43: {  	[sflag:s22] =	ssyncset.done $0x0  }
0x44: {  	s31 =	simm.s32 $0x2800;
	[sflag:s22] =	ssyncadd.s32 $0xFFFFC000  }
0x45: {  	[spmem:s2] =	stream.indirect.scatter.add.f32 [tilespmem:s18], [sflag:$0x2], $0x80, s31, s21, $0xb8;
	[tilespmem:$0x1CC00] =	vst v63  }
0x46: {  	_ =	swait.ge [sflag:s19], $0x4000  }
0x47: {  	s23 =	simm.s32 $0x200;
	s24 =	simm.s32 $0x400;
	[sflag:s19] =	ssyncset.done $0x0  }
.LBB2_4:
0x48: {  	s25 =	sshra.s32 s23, $0x2  }
0x49: {  	[sflag:s19] =	ssyncadd.s32 $0xFFFFC000;
	s23 =	smov.u32 s24;
	s26 =	sadd.s32 $0x200, s24  }
0x4a: {  	[tilespmem:s18], [sflag:$0x1] =	stream.indirect.gather [hbm4b:s4+s21], $0x80, s25, s21, $0xb8;
	[tilespmem:$0x1CC00] =	vst v63  }
0x4b: {  	p0 =	sne.s32 s24, $0x9E00;
	_ =	swait.ge [sflag:s22], $0x4000  }
.Ltmp1:
0x4c: {  	[sflag:s22] =	ssyncset.done $0x0;
	(pc) =	sbr.rel @p0 .LBB2_4-.Ltmp1, $4  }
0x4d: {  	s24 =	sadd.s32 $0x2800, s25;
	[sflag:s22] =	ssyncadd.s32 $0xFFFFC000  }
0x4e: {  	[spmem:s2] =	stream.indirect.scatter.add.f32 [tilespmem:s18], [sflag:$0x2], $0x80, s24, s21, $0xb8;
	[tilespmem:$0x1CC00] =	vst v63  }
0x4f: {  	_ =	swait.ge [sflag:s19], $0x4000  }
0x50: {  	s24 =	smov.u32 s26;
	[sflag:s19] =	ssyncset.done $0x0  }
0x51: {  	s23 =	sshra.s32 s23, $0x2;
	[sflag:s19] =	ssyncadd.s32 $0xFFFFC000  }
0x52: {  	[tilespmem:s18], [sflag:$0x1] =	stream.indirect.gather [hbm4b:s4+s21], $0x80, s23, s21, $0xb8;
	[tilespmem:$0x1CC00] =	vst v63  }
0x53: {  	_ =	swait.ge [sflag:s22], $0x4000  }
0x54: {  	[sflag:s22] =	ssyncset.done $0x0  }
0x55: {  	s23 =	sadd.s32 $0x2800, s23;
	[sflag:s22] =	ssyncadd.s32 $0xFFFFC000  }
0x56: {  	[spmem:s2] =	stream.indirect.scatter.add.f32 [tilespmem:s18], [sflag:$0x2], $0x80, s23, s21, $0xb8;
	[tilespmem:$0x1CC00] =	vst v63  }
0x57: {  	_ =	swait.ge [sflag:s19], $0x4000  }
0x58: {  	[sflag:s19] =	ssyncset.done $0x0  }
0x59: {  	s26 =	sshll.u32 s1, $0x6;
	[sflag:s19] =	ssyncadd.s32 $0xFFFFC000  }
0x5a: {  	s24 =	sshrl.u32 s5, $0x3;
	s23 =	sor.u32 $0x1C02, s26;
	[bflag:$0x0] =	sbarrier.arrive $0xFFFF  }
0x5b: {  	[hbm:s12], [sflag:s23] =	dma.local [spmem:s24], $0x800  }
0x5c: {  	_ =	swait.ge [sflag:s19], $0x800  }
0x5d: {  	[sflag:s19] =	ssyncset.done $0x0  }
0x5e: {  	s28 =	sshrl.u32 s6, $0x3;
	[sflag:s19] =	ssyncadd.s32 $0xFFFFF800  }
0x5f: {  	[hbm:s13], [sflag:s23] =	dma.local [spmem:s28], $0x800  }
0x60: {  	_ =	swait.ge [sflag:s19], $0x800  }
0x61: {  	[sflag:s19] =	ssyncset.done $0x0  }
0x62: {  	s29 =	sshrl.u32 s7, $0x3;
	[sflag:s19] =	ssyncadd.s32 $0xFFFFF800  }
0x63: {  	[hbm:s14], [sflag:s23] =	dma.local [spmem:s29], $0x800  }
0x64: {  	_ =	swait.ge [sflag:s19], $0x800  }
0x65: {  	[sflag:s19] =	ssyncset.done $0x0  }
0x66: {  	s30 =	sshrl.u32 s8, $0x3;
	[sflag:s19] =	ssyncadd.s32 $0xFFFFF800  }
0x67: {  	[hbm:s15], [sflag:s23] =	dma.local [spmem:s30], $0x800  }
0x68: {  	s3 =	sadd.s32 $0x1, s3;
	_ =	swait.ge [sflag:s19], $0x800  }
0x69: {  	p0 =	sne.s32 s3, s17;
	[sflag:s19] =	ssyncset.done $0x0  }
.Ltmp2:
0x6a: {  	s31 =	sshrl.u32 s9, $0x3;
	[sflag:s19] =	ssyncadd.s32 $0xFFFFF800;
	(pc) =	sbr.rel @p0 .LBB2_1-.Ltmp2, $4  }
0x6b: {  	[hbm:s16], [sflag:s23] =	dma.local [spmem:s31], $0x780  }
0x6c: {  	_ =	swait.ge [sflag:s19], $0x780  }
0x6d: {  	[sflag:s19] =	ssyncset.done $0x0  }
0x6e: {  	[sflag:s19] =	ssyncadd.s32 $0xFFFFF880  }
0x6f: {  	_ =	sfence.sel $0x180000  }
0x70: {  	[bflag:$0x0] =	sbarrier.arrive $0xFFFF  }
0x71: {  	p0 =	sne.s32 s1, $0x0;
	_ =	strace $0x9000004D  }
0x72: {  	s0 =	sadd.s32 @!p0 $0x100000, s0;
	[bflag:$0x2] =	sbarrier.arrive $0xFFFF  }
0x73: {  	[sflag:s0] =	ssyncadd.tile.s32 @!p0 $0x1;
	_ =	shalt  }
.Lfunc_end2:
_tile_overlayer_lowered:
.L_overlay_start_2:
0x74: {  	(tag) =	ssettag $0x2  }
0x75: {  	s0 =	rddreg [dreg:$0x0];
	s2 =	stileid.u32  }
0x76: {  	s1 =	rddreg [dreg:$0x1];
	p0 =	sne.s32 s2, $0x0  }
0x77: {  	s3 =	rddreg [dreg:$0x2];
	[bflag:$0x3] =	sbarrier.arrive $0xFFFF;
	s2 =	simm.s32 @!p0 $0x1C02  }
0x78: {  	[timem:s3], [sflag:s2] =	dma.local @!p0 [hbm:s0], s1  }
0x79: {  	s0 =	simm.s32 @!p0 $0x2  }
0x7a: {  	_ =	swait.ge @!p0 [sflag:s0], s1  }
0x7b: {  	s1 =	ssub.s32 @!p0 $0x0, s1;
	[sflag:s0] =	ssyncset.done @!p0 $0x0  }
0x7c: {  	[sflag:s0] =	ssyncadd.s32 @!p0 s1  }
0x7d: {  	[bflag:$0x3] =	sbarrier.arrive $0xFFFF  }
0x7e: {  	_ =	shalt  }

// kernel: kernel.8.cloned.1.call-start
scs
__scs_entry_jumppad:
0x0: {  	(pc) =	sbr.rel $0x88, $3  }
0x1: {  	(tag) =	ssettag $0x0;
	lr =	simm.s32 $0x1  }
0x2: {  	[smem:$0x3F99] =	sst lr;
	_ =	strace $0xD0000000  }
0x3: {  	_ = 	snop  }
0x4: {  	_ = 	snop  }
0x5: {  	_ = 	snop  }
0x6: {  	_ = 	snop  }
0x7: {  	_ = 	snop  }
__scs_overlays_trampoline_lowered:
0x8: {  	[smem:$0x3FA8] =	sst s0  }
0x9: {  	[smem:$0x3FA9] =	sst s1  }
0xa: {  	[smem:$0x3FAA] =	sst s2  }
0xb: {  	[smem:$0x3FAB] =	sst s3  }
0xc: {  	[smem:$0x3FAC] =	sst s4  }
0xd: {  	[smem:$0x3FAD] =	sst s5  }
0xe: {  	[smem:$0x3FAE] =	sst s6  }
0xf: {  	[smem:$0x3FAF] =	sst s7  }
0x10: {  	[smem:$0x3FB0] =	sst s8  }
0x11: {  	[smem:$0x3FB1] =	sst s9;
	s0 =	simm.s32 @!p0 $0x0  }
0x12: {  	s1 =	sld [smem:$0x3F97];
	s0 =	simm.s32 @p0 $0x1  }
0x13: {  	[smem:$0x3FB2] =	sst s0;
	s0 =	simm.s32 @!p1 $0x0  }
0x14: {  	s2 =	sld [smem:$0x3F96];
	s0 =	simm.s32 @p1 $0x1  }
0x15: {  	[smem:$0x3FB3] =	sst s0;
	s0 =	simm.s32 @!p2 $0x0  }
0x16: {  	s3 =	sld [smem:$0x3FDB];
	s0 =	simm.s32 @p2 $0x1  }
0x17: {  	s4 =	simm.s32 $0x1BF5;
	[smem:$0x3FB5] =	sst s0  }
0x18: {  	s0 =	sld [smem:$0x3F98];
	_ =	swait.ge [sflag:s4], $0x0  }
0x19: {  	s7 =	sld [smem:$0x3F99]  }
0x1a: {  	s8 =	sadd.s32 $0xFFFFE003, lr  }
0x1b: {  	s9 =	sadd.s32 $0xFFFFFEF7, lr;
	s5 =	simm.s32 $0xFFFFFFFF;
	p2 =	slt.u32 s8, $0xFFFFF086  }
0x1c: {  	p1 =	slt.u32 s9, $0xF7A;
	s5 =	simm.s32 @!p2 $0x0  }
0x1d: {  	s5 =	simm.s32 @p1 $0x1;
	p0 =	seq.s32 s7, s2  }
0x1e: {  	s7 =	smul.u32 @!p0 $0xF7A, s2;
	p2 =	seq.s32 @!p0 s5, $0x0  }
0x1f: {  	s9 =	smul.u32 $0xF7A, s1;
	s8 =	simm.s32 @!p0 $0x1BF5;
	p2 =	por !p2, p0  }
0x20: {  	[sflag:s8] =	ssyncset.s32 @!p0 $0xFFFFF086;
	s6 =	sadd.s32 @!p0 s3, s7;
	s7 =	simm.s32 @!p0 $0x108  }
0x21: {  	s3 =	sadd.s32 s3, s9;
	s6 =	sadd.s32 @!p0 $0x88, s6;
	s7 =	simm.s32 @p2 $0x1082  }
0x22: {  	[simem:s7], [sflag:s8] =	dma.local @!p0 [hbm:s6], $0xF7A  }
0x23: {  	s9 =	sor.u32 $0xD0000000, s2;
	s6 =	simm.s32 $0x108;
	_ =	swait.ge @!p0 [sflag:s8], $0x0  }
0x24: {  	s3 =	sadd.s32 $0x88, s3;
	s6 =	simm.s32 @!p1 $0x1082;
	[sflag:s4] =	ssyncset.s32 $0xFFFFF086  }
0x25: {  	[simem:s6], [sflag:s4] =	dma.local [hbm:s3], $0xF7A  }
0x26: {  	[smem:$0x3F99] =	sst s1;
	(tag) =	ssettag s2;
	_ =	strace s9  }
0x27: {  	s1 =	sld [smem:$0x3FA9]  }
0x28: {  	s2 =	sld [smem:$0x3FAA]  }
0x29: {  	s4 =	sld [smem:$0x3FAC]  }
0x2a: {  	p0 =	seq.s32 s5, $0x0;
	s5 =	sld [smem:$0x3FAD]  }
0x2b: {  	s6 =	sld [smem:$0x3FAE]  }
0x2c: {  	s7 =	sld [smem:$0x3FAF]  }
0x2d: {  	s3 =	simm.s32 $0x108;
	s8 =	sld [smem:$0x3FB0]  }
0x2e: {  	s3 =	simm.s32 @!p0 $0x1082;
	s9 =	sld [smem:$0x3FB1]  }
0x2f: {  	lr =	sadd.s32 s0, s3;
	s0 =	sld [smem:$0x3FA8]  }
0x30: {  	s3 =	sld [smem:$0x3FAB]  }
0x31: {  	[smem:$0x3FB4] =	sst s10  }
0x32: {  	s10 =	sld [smem:$0x3FB2];
	_ =	sdelay $0x3  }
0x33: {  	p0 =	seq.s32 s10, $0x1;
	s10 =	sld [smem:$0x3FB4];
	_ =	sdelay $0x3  }
0x34: {  	[smem:$0x3FB4] =	sst s10  }
0x35: {  	s10 =	sld [smem:$0x3FB3];
	_ =	sdelay $0x3  }
0x36: {  	p1 =	seq.s32 s10, $0x1;
	s10 =	sld [smem:$0x3FB4];
	_ =	sdelay $0x3  }
0x37: {  	[smem:$0x3FB4] =	sst s10  }
0x38: {  	s10 =	sld [smem:$0x3FB5]  }
0x39: {  	_ = 	snop;
	(pc) =	sbr.ind lr, $3  }
0x3a: {  	_ = 	snop  }
0x3b: {  	_ = 	snop  }
0x3c: {  	p2 =	seq.s32 s10, $0x1;
	s10 =	sld [smem:$0x3FB4]  }
0x3d: {  	_ =	shalt  }
0x3e: {  	_ =	shalt  }
0x3f: {  	_ =	shalt  }
0x40: {  	_ =	shalt  }
0x41: {  	_ =	shalt  }
0x42: {  	_ =	shalt  }
0x43: {  	_ =	shalt  }
0x44: {  	_ =	shalt  }
0x45: {  	_ =	shalt  }
0x46: {  	_ =	shalt  }
0x47: {  	_ =	shalt  }
0x48: {  	_ =	shalt  }
0x49: {  	_ =	shalt  }
0x4a: {  	_ =	shalt  }
0x4b: {  	_ =	shalt  }
0x4c: {  	_ =	shalt  }
0x4d: {  	_ =	shalt  }
0x4e: {  	_ =	shalt  }
0x4f: {  	_ =	shalt  }
0x50: {  	_ =	shalt  }
0x51: {  	_ =	shalt  }
0x52: {  	_ =	shalt  }
0x53: {  	_ =	shalt  }
0x54: {  	_ =	shalt  }
0x55: {  	_ =	shalt  }
0x56: {  	_ =	shalt  }
0x57: {  	_ =	shalt  }
0x58: {  	_ =	shalt  }
0x59: {  	_ =	shalt  }
0x5a: {  	_ =	shalt  }
0x5b: {  	_ =	shalt  }
0x5c: {  	_ =	shalt  }
0x5d: {  	_ =	shalt  }
0x5e: {  	_ =	shalt  }
0x5f: {  	_ =	shalt  }
0x60: {  	_ =	shalt  }
0x61: {  	_ =	shalt  }
0x62: {  	_ =	shalt  }
0x63: {  	_ =	shalt  }
0x64: {  	_ =	shalt  }
0x65: {  	_ =	shalt  }
0x66: {  	_ =	shalt  }
0x67: {  	_ =	shalt  }
0x68: {  	_ =	shalt  }
0x69: {  	_ =	shalt  }
0x6a: {  	_ =	shalt  }
0x6b: {  	_ =	shalt  }
0x6c: {  	_ =	shalt  }
0x6d: {  	_ =	shalt  }
0x6e: {  	_ =	shalt  }
0x6f: {  	_ =	shalt  }
0x70: {  	_ =	shalt  }
0x71: {  	_ =	shalt  }
0x72: {  	_ =	shalt  }
0x73: {  	_ =	shalt  }
0x74: {  	_ =	shalt  }
0x75: {  	_ =	shalt  }
0x76: {  	_ =	shalt  }
0x77: {  	_ =	shalt  }
0x78: {  	_ =	shalt  }
0x79: {  	_ =	shalt  }
0x7a: {  	_ =	shalt  }
0x7b: {  	_ =	shalt  }
0x7c: {  	_ =	shalt  }
0x7d: {  	_ =	shalt  }
0x7e: {  	_ =	shalt  }
0x7f: {  	_ =	shalt  }
0x80: {  	_ =	shalt  }
0x81: {  	_ =	shalt  }
0x82: {  	_ =	shalt  }
0x83: {  	_ =	shalt  }
0x84: {  	_ =	shalt  }
0x85: {  	_ =	shalt  }
0x86: {  	_ =	shalt  }
0x87: {  	_ =	shalt  }
.Lfunc_end0:
.L_simem_size_0:
called_computation_lowered:
.L_overlay_start_0:
0x88: {  	s2 =	sld [smem:$0x3FD9]  }
0x89: {  	s3 =	sld [smem:$0x3FFE];
	_ =	sdelay $0x1  }
0x8a: {  	s1 =	srdreg.scid  }
0x8b: {  	s0 =	sand.u32 $0x1, s1  }
0x8c: {  	s16 =	sshll.u32 s0, $0xA;
	s2 =	sadd.s32 s3, s2  }
0x8d: {  	s2 =	sadd.s32 s2, s16  }
0x8e: {  	[smem:$0x3FC0] =	sst s2  }
0x8f: {  	_ = 	snop  }
0x90: {  	(tm) =	ssettm $0x1  }
0x91: {  	s17 =	sld [smem:$0x3FFB];
	_ =	sdelay $0x3  }
0x92: {  	_ =	strace s17  }
0x93: {  	s2 =	sld [smem:$0x3FFC];
	_ =	sdelay $0x3  }
0x94: {  	_ =	strace s2  }
0x95: {  	s2 =	sld [smem:$0x3FFD];
	_ =	sdelay $0x3  }
0x96: {  	_ =	strace s2  }
0x97: {  	_ =	strace $0x8FFFFFFF  }
0x98: {  	s18 =	sld [smem:$0x3FDB];
	_ =	sdelay $0x1  }
0x99: {  	s19 =	simm.s32 $_scs_section_size  }
0x9a: {  	s4 =	simm.s32 $_size__tile_overlayer_lowered;
	s5 =	simm.s32 $_tile_overlayer_lowered  }
0x9b: {  	s22 =	simm.s32 $0x1BFF;
	s21 =	sshll.u32 s5, $0x1;
	s2 =	sadd.s32 s19, s18  }
0x9c: {  	s6 =	simm.s32 $0x0;
	s20 =	sshll.u32 s4, $0x1;
	s4 =	sadd.s32 s21, s2  }
0x9d: {  	[timem:s6], [sflag:s22] =	dma.local [hbm:s4], s20  }
0x9e: {  	_ =	swait.ge [sflag:s22], s20  }
0x9f: {  	s3 =	ssub.s32 $0x0, s20;
	[sflag:s22] =	ssyncset.done $0x0  }
0xa0: {  	[sflag:s22] =	ssyncadd.s32 s3;
	_ =	sdelay $0x1  }
0xa1: {  	s23 =	simm.s32 $0x1B8B  }
0xa2: {  	_ =	swait.ge [sflag:s23], $0x1  }
0xa3: {  	[sflag:s23] =	ssyncset.done $0x0  }
0xa4: {  	s25 =	simm.s32 $0x1B8E;
	s24 =	sld [smem:$0x3FFE];
	[sflag:s23] =	ssyncadd.s32 $0xFFFFFFFF  }
0xa5: {  	s26 =	simm.s32 $execute0_lowered;
	[smem:$0x3FD2] =	sst s25  }
0xa6: {  	s4 =	sshll.u32 s26, $0x1;
	_ =	strace $0x80000046;
	[dreg:$0x1] =	wrdreg $0xFFFFFFFF  }
0xa7: {  	s28 =	simm.s32 $_size_execute0_lowered;
	s2 =	sadd.s32 s2, s4;
	[dreg:$0x0] =	wrdreg $0x0  }
0xa8: {  	s4 =	sshll.u32 s28, $0x1;
	[dreg:$0x2] =	wrdreg s2  }
0xa9: {  	[dreg:$0x3] =	wrdreg s4  }
0xaa: {  	[dreg:$0x4] =	wrdreg $0xC0  }
0xab: {  	_ =	task [dreg:s6], $0x5FFFF  }
0xac: {  	[dreg:$0x1] =	wrdreg $0xFFFFFFFF  }
0xad: {  	[dreg:$0x0] =	wrdreg $0x60  }
0xae: {  	[dreg:$0x2] =	wrdreg s24  }
0xaf: {  	[dreg:$0x3] =	wrdreg $0xA7000  }
0xb0: {  	[dreg:$0x4] =	wrdreg $0x9  }
0xb1: {  	_ =	task.clear_ibuf [dreg:s6], $0x5FFFF;
	_ =	strace $0x90000046  }
0xb2: {  	s29 =	simm.s32 $0x9;
	_ =	strace $0x80000048  }
0xb3: {  	_ =	swait.ge [sflag:s29], $0x1  }
0xb4: {  	[sflag:s29] =	ssyncadd.s32 $0xFFFFFFFF  }
0xb5: {  	_ =	strace $0x90000048  }
0xb6: {  	_ =	sfence  }
0xb7: {  	s30 =	sld [smem:$0x0];
	_ =	sdelay $0x2  }
0xb8: {  	s31 =	sshll.u32 s1, $0xD;
	s1 =	sshrl.u32 s1, $0x2  }
0xb9: {  	s3 =	sand.u32 $0x4000, s31;
	s1 =	sadd.s32 s1, s30  }
0xba: {  	s0 =	sor.u32 s3, s0;
	s1 =	sshll.u32 s1, $0x11  }
0xbb: {  	s0 =	sor.u32 s1, s0  }
0xbc: {  	s0 =	sadd.s32 $0x8F2B, s0  }
0xbd: {  	[sflag:s0] =	ssyncadd.remote.s32 $0x1  }
0xbe: {  	_ =	sfence.sel $0xFFFF  }
0xbf: {  	[dreg:$0x0] =	wrdreg $0xFFFFFFFF;
	(pc) =	sbr.abs _section_cstart, $3  }
0xc0: {  	[dreg:$0x1] =	wrdreg $0xFFFFFFFF  }
0xc1: {  	_ =	task.clear_ibuf [dreg:s6], $0x2FFFF;
	_ =	strace $0x9FFFFFFF  }
0xc2: {  	(tm) =	ssettm $0x7FFFFFFF  }
0xc3: {  	_ =	shalt  }
tec
execute0_lowered:
.L_overlay_start_1:
0x0: {  	(tag) =	ssettag $0x1  }
0x1: {  	s1 =	srdreg.scid;
	s4 =	rddreg [dreg:$0x0]  }
0x2: {  	s0 =	stileid.u32;
	s2 =	rddreg [dreg:$0x1];
	s3 =	simm.s32 $0x0  }
0x3: {  	s10 =	simm.s32 $0x80;
	s5 =	sand.u32 $0x1, s1;
	s1 =	rddreg [dreg:$0x2]  }
0x4: {  	s11 =	simm.s32 $0x5000;
	s6 =	smul.u32 $0x4F00, s0;
	[smem:$0x7FF] =	sst s3  }
0x5: {  	s12 =	sshll.u32 s0, $0x6;
	s7 =	sshll.u32 s5, $0x4;
	s8 =	smul.u32 $0x4F000, s5  }
0x6: {  	_ =	strace $0x80000047;
	s5 =	ssub.s32 $0x2, s5;
	s7 =	sor.u32 s0, s7  }
0x7: {  	s31 =	sshrl.u32 s5, $0x1;
	s7 =	smul.u32 $0xA00, s7;
	s8 =	sadd.s32 s6, s8  }
0x8: {  	s12 =	sor.u32 $0x1C01, s12;
	s9 =	ssub.s32 s5, s31;
	s8 =	sshrl.u32 s8, $0x3  }
0x9: {  	s7 =	sadd.s32 s7, s4;
	s8 =	sadd.s32 s8, s4;
	s4 =	sadd.s32 s6, s2  }
0xa: {  	s5 =	sadd.s32 $0x2400, s7;
	s6 =	sadd.s32 $0x16400, s8;
	s7 =	smax.u32 s9, $0x1  }
0xb: {  	v0 =	vimm.f32 $1.000000000e+00;
	v1 =	vimm.f32 $0.0e+00;
	s8 =	simm.s32 $0x5800;
	s9 =	simm.s32 $0x1;
	s13 =	sshrl.u32 s4, $0x3  }
.LBB2_1:
0xc: {  	s14 =	simm.s32 $0x0  }
.LBB2_2:
0xd: {  	p0 =	sne.s32 s14, $0x1FC0  }
.Ltmp0:
0xe: {  	_ = 	snop;
	(pc) =	sbr.rel @p0 .LBB2_2-.Ltmp0, $3  }
0xf: {  	_ =	sdelay $0x1  }
0x10: {  	s15 =	sshra.s32 s14, $0x2  }
0x11: {  	s14 =	sadd.s32 $0x40, s14;
	[tilespmem:s15+$0x5000] =	vst v0  }
0x12: {  	s14 =	simm.s32 $0x40;
	s15 =	simm.s32 $0x0  }
.LBB2_4:
0x13: {  	p0 =	sne.s32 s14, $0x13BC0;
	[tilespmem:s15+$0x5800] =	vst v1;
	s15 =	smov.u32 s14;
	s14 =	sadd.s32 $0x40, s14  }
.Ltmp1:
0x14: {  	(pc) =	sbr.rel @p0 .LBB2_4-.Ltmp1, $2  }
0x15: {  	_ =	sdelay $0x2  }
0x16: {  	s15 =	sshra.s32 s15, $0x2  }
0x17: {  	[tilespmem:s15+$0x5800] =	vst v1  }
0x18: {  	[spmem:s4] =	stream.linear.scatter [tilespmem:s8], [sflag:$0x1], $0x4F00, $0x38;
	[tilespmem:$0xF600] =	vst v63  }
0x19: {  	_ =	swait.ge [sflag:s9], $0x4F00  }
0x1a: {  	[sflag:s9] =	ssyncset.done $0x0  }
0x1b: {  	[sflag:s9] =	ssyncadd.s32 $0xFFFFB100  }
0x1c: {  	s14 =	simm.s32 $0x0;
	[bflag:$0x0] =	sbarrier.arrive $0xFFFF  }
0x1d: {  	[tilespmem:s14], [sflag:$0x1] =	stream.linear.gather [hbm4b:s5+s14], $0x5000, $0x38;
	[tilespmem:$0xF600] =	vst v63  }
0x1e: {  	_ =	swait.ge [sflag:s9], $0x5000  }
0x1f: {  	[sflag:s9] =	ssyncset.done $0x0  }
0x20: {  	s31 =	simm.s32 $0x0;
	[sflag:s9] =	ssyncadd.s32 $0xFFFFB000  }
0x21: {  	[spmem:s2] =	stream.indirect.scatter.add.f32 [tilespmem:s11], [sflag:$0x1], $0x10, s31, s10, $0xb8;
	[tilespmem:$0xF600] =	vst v63  }
0x22: {  	_ =	swait.ge [sflag:s9], $0x800  }
0x23: {  	s14 =	simm.s32 $0x200;
	[sflag:s9] =	ssyncset.done $0x0  }
.LBB2_6:
0x24: {  	s15 =	sshra.s32 s14, $0x2;
	[sflag:s9] =	ssyncadd.s32 $0xFFFFF800;
	p0 =	sne.s32 s14, $0x13E00  }
0x25: {  	[spmem:s2] =	stream.indirect.scatter.add.f32 [tilespmem:s11], [sflag:$0x1], $0x10, s15, s10, $0xb8;
	[tilespmem:$0xF600] =	vst v63  }
.Ltmp2:
0x26: {  	_ = 	snop;
	(pc) =	sbr.rel @p0 .LBB2_6-.Ltmp2, $4  }
0x27: {  	_ = 	snop  }
0x28: {  	s14 =	sadd.s32 $0x200, s14  }
0x29: {  	_ =	swait.ge [sflag:s9], $0x800  }
0x2a: {  	[sflag:s9] =	ssyncset.done $0x0  }
0x2b: {  	s3 =	sadd.s32 $0x1, s3  }
0x2c: {  	[sflag:s9] =	ssyncadd.s32 $0xFFFFF800;
	p0 =	sne.s32 s3, s7  }
.Ltmp3:
0x2d: {  	[bflag:$0x0] =	sbarrier.arrive $0xFFFF;
	(pc) =	sbr.rel @p0 .LBB2_1-.Ltmp3, $4  }
0x2e: {  	[hbm:s6], [sflag:s12] =	dma.local [spmem:s13], $0x9E0  }
0x2f: {  	_ =	swait.ge [sflag:s9], $0x9E0  }
0x30: {  	[sflag:s9] =	ssyncset.done $0x0  }
0x31: {  	[sflag:s9] =	ssyncadd.s32 $0xFFFFF620  }
0x32: {  	_ =	sfence.sel $0x180000  }
0x33: {  	[bflag:$0x0] =	sbarrier.arrive $0xFFFF  }
0x34: {  	p0 =	sne.s32 s0, $0x0;
	_ =	strace $0x90000047  }
0x35: {  	s0 =	sadd.s32 @!p0 $0x100000, s1;
	[bflag:$0x2] =	sbarrier.arrive $0xFFFF  }
0x36: {  	[sflag:s0] =	ssyncadd.tile.s32 @!p0 $0x1;
	_ =	shalt  }
.Lfunc_end2:
_tile_overlayer_lowered:
.L_overlay_start_2:
0x37: {  	(tag) =	ssettag $0x2  }
0x38: {  	s0 =	rddreg [dreg:$0x0];
	s2 =	stileid.u32  }
0x39: {  	s1 =	rddreg [dreg:$0x1];
	p0 =	sne.s32 s2, $0x0  }
0x3a: {  	s3 =	rddreg [dreg:$0x2];
	[bflag:$0x3] =	sbarrier.arrive $0xFFFF;
	s2 =	simm.s32 @!p0 $0x1C01  }
0x3b: {  	[timem:s3], [sflag:s2] =	dma.local @!p0 [hbm:s0], s1  }
0x3c: {  	s0 =	simm.s32 @!p0 $0x1  }
0x3d: {  	_ =	swait.ge @!p0 [sflag:s0], s1  }
0x3e: {  	s1 =	ssub.s32 @!p0 $0x0, s1;
	[sflag:s0] =	ssyncset.done @!p0 $0x0  }
0x3f: {  	[sflag:s0] =	ssyncadd.s32 @!p0 s1  }
0x40: {  	[bflag:$0x3] =	sbarrier.arrive $0xFFFF  }
0x41: {  	_ =	shalt  }

</sc_bundles>
